<compile_context>
chip_gen: v7x
topology: tpu7x:2x2x1
jax: 0.10.2.dev20260603
libtpu: 0.0.44.dev20260713+nightly
codegen_flags: <defaults>
</compile_context>

<pallas_src>
import functools

import jax
import jax.numpy as jnp
from jax import lax
from jax.experimental import pallas as pl
from jax.experimental.pallas import tpu as pltpu
from jax.experimental.pallas import tpu_sc as plsc


def _swish(x):
    return x * jax.nn.sigmoid(x)


def _res_chain(x, blocks):
    for (W1, b1, W2, b2) in blocks:
        h = _swish(x)
        h = jnp.dot(h, W1, preferred_element_type=jnp.float32) + b1
        h = _swish(h)
        h = jnp.dot(h, W2, preferred_element_type=jnp.float32) + b2
        x = x + h
    return x


def _flatten_blocks(blocks):
    ws = []
    for (W1, b1, W2, b2) in blocks:
        ws += [W1, b1.reshape(1, -1), W2, b2.reshape(1, -1)]
    return ws


def _take_blocks(ws, pos, n):
    out = []
    for _ in range(n):
        out.append((ws[pos], ws[pos + 1], ws[pos + 2], ws[pos + 3]))
        pos += 4
    return out, pos


def _pick_row_block(n, want):
    for r in (want, 400, 200, 100, 1000, 40, 8):
        if n % r == 0:
            return r
    return n


def _pre(x2, params):
    N, F = x2.shape
    in_res, bi_res, bj_res = params["in_res"], params["bi_res"], params["bj_res"]
    bi_d, bj_d = params["bi_dense"], params["bj_dense"]
    n_in, n_bi, n_bj = len(in_res), len(bi_res), len(bj_res)
    weights = _flatten_blocks(list(in_res) + list(bi_res) + list(bj_res))
    weights += [bi_d[0], bi_d[1].reshape(1, -1), bj_d[0], bj_d[1].reshape(1, -1)]
    nw = len(weights)
    R = _pick_row_block(N, 1000)

    def body(*refs):
        x_ref = refs[0]
        ws = [r[...] for r in refs[1:1 + nw]]
        x1_ref, xi_ref, xj_ref = refs[1 + nw:]
        pos = 0
        in_b, pos = _take_blocks(ws, pos, n_in)
        bi_b, pos = _take_blocks(ws, pos, n_bi)
        bj_b, pos = _take_blocks(ws, pos, n_bj)
        Wid, bid, Wjd, bjd = ws[pos], ws[pos + 1], ws[pos + 2], ws[pos + 3]
        x1 = _res_chain(x_ref[...], in_b)
        xi = jnp.dot(_swish(_res_chain(x1, bi_b)), Wid,
                     preferred_element_type=jnp.float32) + bid
        xj = jnp.dot(_swish(_res_chain(x1, bj_b)), Wjd,
                     preferred_element_type=jnp.float32) + bjd
        x1_ref[...] = x1
        xi_ref[...] = xi
        xj_ref[...] = xj

    in_specs = [pl.BlockSpec((R, F), lambda i: (i, 0))]
    for wa in weights:
        in_specs.append(pl.BlockSpec(wa.shape, lambda i: (0, 0)))
    out_specs = [pl.BlockSpec((R, F), lambda i: (i, 0))] * 3
    out_shape = [jax.ShapeDtypeStruct((N, F), jnp.float32)] * 3
    return pl.pallas_call(
        body, grid=(N // R,), in_specs=in_specs, out_specs=out_specs,
        out_shape=out_shape)(x2, *weights)


def _sc_gather(xj2, idx):
    NE = idx.shape[0]
    F = xj2.shape[1]
    info = plsc.get_sparse_core_info()
    NC, NS = info.num_cores, info.num_subcores
    NW = NC * NS
    EPW = NE // NW
    E = max(e for e in range(8, 129, 8) if EPW % e == 0)
    nt = EPW // E
    mesh = plsc.VectorSubcoreMesh(core_axis_name="c", subcore_axis_name="s")
    idx3 = idx.reshape(NW, nt, E)

    NB = 8
    A = 4

    @functools.partial(
        pl.kernel, mesh=mesh,
        out_type=jax.ShapeDtypeStruct((NE, F), jnp.float32),
        scratch_types=[
            pltpu.VMEM((nt, E), jnp.int32),
            pltpu.VMEM((NB, E, F), jnp.float32),
            pltpu.SemaphoreType.DMA((NB,)),
            pltpu.SemaphoreType.DMA((NB,)),
        ],
    )
    def k(xj_hbm, idx_hbm, out_hbm, idx_v, rows_v, gsem, osem):
        w = lax.axis_index("s") * NC + lax.axis_index("c")
        pltpu.sync_copy(idx_hbm.at[w], idx_v)
        for b in range(min(A, nt)):
            pltpu.async_copy(
                xj_hbm.at[idx_v.at[b]], rows_v.at[b], gsem.at[b])

        def body(t, carry):
            slot = lax.rem(t, NB)
            base = w * EPW + t * E

            @pl.when(t + A < nt)
            def _start_next():
                nslot = lax.rem(t + A, NB)

                @pl.when(t + A >= NB)
                def _wait_old_wb():
                    ob = w * EPW + (t + A - NB) * E
                    pltpu.make_async_copy(
                        rows_v.at[nslot], out_hbm.at[pl.ds(ob, E)],
                        osem.at[nslot]).wait()

                pltpu.async_copy(
                    xj_hbm.at[idx_v.at[t + A]], rows_v.at[nslot],
                    gsem.at[nslot])

            pltpu.make_async_copy(
                xj_hbm.at[idx_v.at[t]], rows_v.at[slot], gsem.at[slot]).wait()
            pltpu.async_copy(
                rows_v.at[slot], out_hbm.at[pl.ds(base, E)], osem.at[slot])
            return carry

        lax.fori_loop(0, nt, body, 0)
        for b in range(NB):
            t_last = nt - NB + b
            if t_last >= 0:
                slot = t_last % NB
                lb = w * EPW + t_last * E
                pltpu.make_async_copy(
                    rows_v.at[slot], out_hbm.at[pl.ds(lb, E)],
                    osem.at[slot]).wait()

    return k(xj2, idx3)


def _conv_post(yj, fij2, xi, x1, params):
    N, F = x1.shape
    NE, K = fij2.shape
    Nn = NE // N
    bv_res, out_res = params["bv_res"], params["out_res"]
    bv_d = params["bv_dense"]
    n_bv, n_out = len(bv_res), len(out_res)
    weights = [params["Wf"]]
    weights += _flatten_blocks(list(bv_res))
    weights += [bv_d[0], bv_d[1].reshape(1, -1)]
    weights += _flatten_blocks(list(out_res))
    nw = len(weights)
    R = _pick_row_block(N, 400)

    def body(*refs):
        yj_ref, fij_ref, xi_ref, x1_ref = refs[:4]
        ws = [r[...] for r in refs[4:4 + nw]]
        out_ref = refs[4 + nw]
        Wf = ws[0]; pos = 1
        bv_b, pos = _take_blocks(ws, pos, n_bv)
        Wvd, bvd = ws[pos], ws[pos + 1]; pos += 2
        out_b, pos = _take_blocks(ws, pos, n_out)
        wf = jnp.dot(fij_ref[...], Wf, preferred_element_type=jnp.float32)
        p = wf * yj_ref[...]
        agg = jnp.sum(p.reshape(R, Nn, F), axis=1)
        v = xi_ref[...] + agg
        v = _res_chain(v, bv_b)
        v = jnp.dot(_swish(v), Wvd, preferred_element_type=jnp.float32) + bvd
        xn = x1_ref[...] + v
        out_ref[...] = _res_chain(xn, out_b)

    in_specs = [
        pl.BlockSpec((R * Nn, F), lambda i: (i, 0)),
        pl.BlockSpec((R * Nn, K), lambda i: (i, 0)),
        pl.BlockSpec((R, F), lambda i: (i, 0)),
        pl.BlockSpec((R, F), lambda i: (i, 0)),
    ]
    for wa in weights:
        in_specs.append(pl.BlockSpec(wa.shape, lambda i: (0, 0)))
    return pl.pallas_call(
        body, grid=(N // R,), in_specs=in_specs,
        out_specs=pl.BlockSpec((R, F), lambda i: (i, 0)),
        out_shape=jax.ShapeDtypeStruct((N, F), jnp.float32),
    )(yj, fij2, xi, x1, *weights)


def kernel(x, r_ij, neighbors, neighbor_mask, f_ij, params):
    B, N, F = x.shape
    Nn = neighbors.shape[2]
    if f_ij is None:
        f_ij = r_ij[..., None]
    K = f_ij.shape[-1]
    x2 = x.reshape(N, F)
    idx = neighbors.reshape(-1).astype(jnp.int32)
    fij2 = f_ij.reshape(N * Nn, K)
    x1, xi, xj = _pre(x2, params)
    yj = _sc_gather(xj, idx)
    out = _conv_post(yj, fij2, xi, x1, params)
    return out.reshape(B, N, F)

# --- scband reference (transcript-rebuilt; emitter-appended) ---
"""Pipeline reference for scband-phys-net-interaction-56848187130523 (READ-ONLY COPY).

The authoritative reference and input builder live on the scoring server;
editing this copy changes nothing except your own understanding.
"""

import jax, jax.numpy as jnp
import numpy as np


def swish(x):
    return x * jax.nn.sigmoid(x)


def res_stack(x, blocks):
    # PhysNet residual block: x + W2 @ act(W1 @ act(x) + b1) + b2
    for (W1, b1, W2, b2) in blocks:
        h = swish(x)
        h = h @ W1 + b1
        h = swish(h)
        h = h @ W2 + b2
        x = x + h
    return x


def dense_pre(x, W, b):
    # spk.nn.Dense with pre_activation
    return swish(x) @ W + b


def setup_inputs(seed: int = 0) -> dict:
    key = jax.random.key(seed)
    ks = jax.random.split(key, 32)
    B, N, Nn, F, K = 1, 10000, 32, 128, 64

    x = jax.random.normal(ks[0], (B, N, F), dtype=jnp.float32)
    r_ij = jax.random.uniform(ks[1], (B, N, Nn), dtype=jnp.float32)
    neighbors = jax.random.randint(ks[2], (B, N, Nn), 0, N, dtype=jnp.int64)
    neighbor_mask = jnp.ones((B, N, Nn), dtype=jnp.float32)
    f_ij = jax.random.normal(ks[3], (B, N, Nn, K), dtype=jnp.float32)

    def W(k, shape):
        return jax.random.normal(k, shape, dtype=jnp.float32) * 0.05

    def block(k1, k2):
        return (W(k1, (F, F)), jnp.zeros((F,), jnp.float32),
                W(k2, (F, F)), jnp.zeros((F,), jnp.float32))

    params = {
        "in_res": [block(ks[4], ks[5])],
        "bi_res": [block(ks[6], ks[7])],
        "bi_dense": (W(ks[8], (F, F)), jnp.zeros((F,), jnp.float32)),
        "bj_res": [block(ks[9], ks[10])],
        "bj_dense": (W(ks[11], (F, F)), jnp.zeros((F,), jnp.float32)),
        "Wf": W(ks[12], (K, F)),
        "bv_res": [block(ks[13], ks[14])],
        "bv_dense": (W(ks[15], (F, F)), jnp.zeros((F,), jnp.float32)),
        "out_res": [block(ks[16], ks[17])],
    }
    return {"x": x, "r_ij": r_ij, "neighbors": neighbors,
            "neighbor_mask": neighbor_mask, "f_ij": f_ij, "params": params}


def reference(x, r_ij, neighbors, neighbor_mask, f_ij, params):
    # input residual stack
    x = res_stack(x, params["in_res"])
    # branch i
    xi = res_stack(x, params["bi_res"])
    xi = dense_pre(xi, *params["bi_dense"])
    # branch j
    xj = res_stack(x, params["bj_res"])
    xj = dense_pre(xj, *params["bj_dense"])
    # BaseConvolutionLayer: filter_network on f_ij (fallback to r_ij expansion)
    if f_ij is None:
        f_ij = r_ij[..., None]
    Wfilt = f_ij @ params["Wf"]  # [B, N, Nn, F]
    B, N, Nn = neighbors.shape
    F = xj.shape[-1]
    nbh = neighbors.reshape(B, N * Nn, 1)
    nbh = jnp.broadcast_to(nbh, (B, N * Nn, F))
    yj = jnp.take_along_axis(xj, nbh, axis=1).reshape(B, N, Nn, F)
    yj = yj * Wfilt * neighbor_mask[..., None]
    agg = jnp.sum(yj, axis=2)  # [B, N, F]
    # merge branches
    v = xi + agg
    v = res_stack(v, params["bv_res"])
    v = dense_pre(v, *params["bv_dense"])
    x = x + v
    x = res_stack(x, params["out_res"])
    return x

if __name__ == "__main__":
    import jax
    _d = setup_inputs()
    print(jax.jit(kernel)(*tuple(_d.values())))

</pallas_src>

<mosaic_0001>
#map = affine_map<(d0, d1) -> (0, 0)>
#map1 = affine_map<(d0, d1) -> (0, 0, 0)>
module attributes {stable_mosaic.version = 14 : i64} {
  func.func @k(%arg0: i32, %arg1: i32, %arg2: memref<10000x128xf32, #tpu.memory_space<hbm>>, %arg3: memref<32x125x80xi32, #tpu.memory_space<hbm>>, %arg4: memref<320000x128xf32, #tpu.memory_space<hbm>>, %arg5: memref<125x80xi32, #tpu.memory_space<vmem>>, %arg6: memref<8x80x128xf32, #tpu.memory_space<vmem>>, %arg7: memref<8x!tpu.dma_semaphore, #tpu.memory_space<semaphore_mem>>, %arg8: memref<8x!tpu.dma_semaphore, #tpu.memory_space<semaphore_mem>>) attributes {dimension_semantics = [#tpu.dimension_semantics<core_parallel>, #tpu.dimension_semantics<subcore_parallel>], iteration_bounds = array<i64: 2, 16>, scalar_prefetch = 0 : i64, scratch_operands = 4 : i64, tpu.core_type = #tpu.core_type<sc_vector_subcore>, window_params = [{transform_indices = #map}, {transform_indices = #map1}, {transform_indices = #map}]} {
    %mul3A = arith.constant 2 : i32
    %mul3A_0 = arith.muli %arg1, %mul3A : i32
    %add3A = arith.addi %mul3A_0, %arg0 : i32
    "tpu.region"() ({
      %run_scoped3A = tpu.sem_alloc : memref<!tpu.dma_semaphore, #tpu.memory_space<semaphore_mem>>
      %dma_start3A_224 = arith.constant 0 : i32
      %dma_start3A_225 = arith.constant 0 : i32
      %dma_start3A_226 = tpu.memref_slice %arg3[%add3A, %dma_start3A_224, %dma_start3A_225] : memref<32x125x80xi32, #tpu.memory_space<hbm>> -> memref<1x125x80xi32, #tpu.memory_space<hbm>>
      %dma_start3A_227 = tpu.memref_squeeze %dma_start3A_226 : memref<1x125x80xi32, #tpu.memory_space<hbm>> -> memref<125x80xi32, #tpu.memory_space<hbm>>
      %dma_start3A_228 = arith.constant 0 : i32
      %dma_start3A_229 = arith.constant 0 : i32
      %dma_start3A_230 = tpu.memref_slice %arg3[%add3A, %dma_start3A_228, %dma_start3A_229] : memref<32x125x80xi32, #tpu.memory_space<hbm>> -> memref<1x125x80xi32, #tpu.memory_space<hbm>>
      %dma_start3A_231 = tpu.memref_squeeze %dma_start3A_230 : memref<1x125x80xi32, #tpu.memory_space<hbm>> -> memref<125x80xi32, #tpu.memory_space<hbm>>
      tpu.enqueue_dma source(%dma_start3A_231 : memref<125x80xi32, #tpu.memory_space<hbm>>) target(%arg5 : memref<125x80xi32, #tpu.memory_space<vmem>>) target_semaphore(%run_scoped3A : memref<!tpu.dma_semaphore, #tpu.memory_space<semaphore_mem>>)
      %dma_wait3A_232 = arith.constant 0 : i32
      %dma_wait3A_233 = arith.constant 0 : i32
      %dma_wait3A_234 = tpu.memref_slice %arg3[%add3A, %dma_wait3A_232, %dma_wait3A_233] : memref<32x125x80xi32, #tpu.memory_space<hbm>> -> memref<1x125x80xi32, #tpu.memory_space<hbm>>
      %dma_wait3A_235 = tpu.memref_squeeze %dma_wait3A_234 : memref<1x125x80xi32, #tpu.memory_space<hbm>> -> memref<125x80xi32, #tpu.memory_space<hbm>>
      %dma_wait3A_236 = arith.constant 0 : i32
      %dma_wait3A_237 = arith.constant 0 : i32
      %dma_wait3A_238 = tpu.memref_slice %arg3[%add3A, %dma_wait3A_236, %dma_wait3A_237] : memref<32x125x80xi32, #tpu.memory_space<hbm>> -> memref<1x125x80xi32, #tpu.memory_space<hbm>>
      %dma_wait3A_239 = tpu.memref_squeeze %dma_wait3A_238 : memref<1x125x80xi32, #tpu.memory_space<hbm>> -> memref<125x80xi32, #tpu.memory_space<hbm>>
      tpu.wait_dma2 semaphore(%run_scoped3A : memref<!tpu.dma_semaphore, #tpu.memory_space<semaphore_mem>>) src(%dma_wait3A_239 : memref<125x80xi32, #tpu.memory_space<hbm>>) dst(%arg5 : memref<125x80xi32, #tpu.memory_space<vmem>>)
      tpu.yield
    }) : () -> ()
    %dma_start3A = arith.constant 0 : i32
    %dma_start3A_1 = arith.constant 0 : i32
    %dma_start3A_2 = arith.constant 0 : i32
    %dma_start3A_3 = arith.constant 0 : i32
    %dma_start3A_4 = arith.constant 0 : i32
    %dma_start3A_5 = tpu.memref_slice %arg6[%dma_start3A_1, %dma_start3A_3, %dma_start3A_4] : memref<8x80x128xf32, #tpu.memory_space<vmem>> -> memref<1x80x128xf32, #tpu.memory_space<vmem>>
    %dma_start3A_6 = tpu.memref_squeeze %dma_start3A_5 : memref<1x80x128xf32, #tpu.memory_space<vmem>> -> memref<80x128xf32, #tpu.memory_space<vmem>>
    %dma_start3A_7 = arith.constant 0 : i32
    %dma_start3A_8 = tpu.memref_slice %arg5[%dma_start3A, %dma_start3A_7] : memref<125x80xi32, #tpu.memory_space<vmem>> -> memref<1x80xi32, #tpu.memory_space<vmem>>
    %dma_start3A_9 = tpu.memref_squeeze %dma_start3A_8 : memref<1x80xi32, #tpu.memory_space<vmem>> -> memref<80xi32, #tpu.memory_space<vmem>>
    %dma_start3A_10 = arith.constant 0 : i32
    %dma_start3A_11 = arith.constant 0 : i32
    %dma_start3A_12 = tpu.memref_slice %arg2[%dma_start3A_10, %dma_start3A_11] : memref<10000x128xf32, #tpu.memory_space<hbm>> -> memref<10000x128xf32, #tpu.memory_space<hbm>>
    %dma_start3A_13 = tpu.memref_slice %arg7[%dma_start3A_2] : memref<8x!tpu.dma_semaphore, #tpu.memory_space<semaphore_mem>> -> memref<1x!tpu.dma_semaphore, #tpu.memory_space<semaphore_mem>>
    %dma_start3A_14 = tpu.memref_squeeze %dma_start3A_13 : memref<1x!tpu.dma_semaphore, #tpu.memory_space<semaphore_mem>> -> memref<!tpu.dma_semaphore, #tpu.memory_space<semaphore_mem>>
    tpu.enqueue_indirect_dma source(%dma_start3A_12 : memref<10000x128xf32, #tpu.memory_space<hbm>>) target(%dma_start3A_6 : memref<80x128xf32, #tpu.memory_space<vmem>>) offsets(%dma_start3A_9 : memref<80xi32, #tpu.memory_space<vmem>>) semaphore(%dma_start3A_14 : memref<!tpu.dma_semaphore, #tpu.memory_space<semaphore_mem>>)
    %dma_start3A_15 = arith.constant 1 : i32
    %dma_start3A_16 = arith.constant 1 : i32
    %dma_start3A_17 = arith.constant 1 : i32
    %dma_start3A_18 = arith.constant 0 : i32
    %dma_start3A_19 = arith.constant 0 : i32
    %dma_start3A_20 = tpu.memref_slice %arg6[%dma_start3A_16, %dma_start3A_18, %dma_start3A_19] : memref<8x80x128xf32, #tpu.memory_space<vmem>> -> memref<1x80x128xf32, #tpu.memory_space<vmem>>
    %dma_start3A_21 = tpu.memref_squeeze %dma_start3A_20 : memref<1x80x128xf32, #tpu.memory_space<vmem>> -> memref<80x128xf32, #tpu.memory_space<vmem>>
    %dma_start3A_22 = arith.constant 0 : i32
    %dma_start3A_23 = tpu.memref_slice %arg5[%dma_start3A_15, %dma_start3A_22] : memref<125x80xi32, #tpu.memory_space<vmem>> -> memref<1x80xi32, #tpu.memory_space<vmem>>
    %dma_start3A_24 = tpu.memref_squeeze %dma_start3A_23 : memref<1x80xi32, #tpu.memory_space<vmem>> -> memref<80xi32, #tpu.memory_space<vmem>>
    %dma_start3A_25 = arith.constant 0 : i32
    %dma_start3A_26 = arith.constant 0 : i32
    %dma_start3A_27 = tpu.memref_slice %arg2[%dma_start3A_25, %dma_start3A_26] : memref<10000x128xf32, #tpu.memory_space<hbm>> -> memref<10000x128xf32, #tpu.memory_space<hbm>>
    %dma_start3A_28 = tpu.memref_slice %arg7[%dma_start3A_17] : memref<8x!tpu.dma_semaphore, #tpu.memory_space<semaphore_mem>> -> memref<1x!tpu.dma_semaphore, #tpu.memory_space<semaphore_mem>>
    %dma_start3A_29 = tpu.memref_squeeze %dma_start3A_28 : memref<1x!tpu.dma_semaphore, #tpu.memory_space<semaphore_mem>> -> memref<!tpu.dma_semaphore, #tpu.memory_space<semaphore_mem>>
    tpu.enqueue_indirect_dma source(%dma_start3A_27 : memref<10000x128xf32, #tpu.memory_space<hbm>>) target(%dma_start3A_21 : memref<80x128xf32, #tpu.memory_space<vmem>>) offsets(%dma_start3A_24 : memref<80xi32, #tpu.memory_space<vmem>>) semaphore(%dma_start3A_29 : memref<!tpu.dma_semaphore, #tpu.memory_space<semaphore_mem>>)
    %dma_start3A_30 = arith.constant 2 : i32
    %dma_start3A_31 = arith.constant 2 : i32
    %dma_start3A_32 = arith.constant 2 : i32
    %dma_start3A_33 = arith.constant 0 : i32
    %dma_start3A_34 = arith.constant 0 : i32
    %dma_start3A_35 = tpu.memref_slice %arg6[%dma_start3A_31, %dma_start3A_33, %dma_start3A_34] : memref<8x80x128xf32, #tpu.memory_space<vmem>> -> memref<1x80x128xf32, #tpu.memory_space<vmem>>
    %dma_start3A_36 = tpu.memref_squeeze %dma_start3A_35 : memref<1x80x128xf32, #tpu.memory_space<vmem>> -> memref<80x128xf32, #tpu.memory_space<vmem>>
    %dma_start3A_37 = arith.constant 0 : i32
    %dma_start3A_38 = tpu.memref_slice %arg5[%dma_start3A_30, %dma_start3A_37] : memref<125x80xi32, #tpu.memory_space<vmem>> -> memref<1x80xi32, #tpu.memory_space<vmem>>
    %dma_start3A_39 = tpu.memref_squeeze %dma_start3A_38 : memref<1x80xi32, #tpu.memory_space<vmem>> -> memref<80xi32, #tpu.memory_space<vmem>>
    %dma_start3A_40 = arith.constant 0 : i32
    %dma_start3A_41 = arith.constant 0 : i32
    %dma_start3A_42 = tpu.memref_slice %arg2[%dma_start3A_40, %dma_start3A_41] : memref<10000x128xf32, #tpu.memory_space<hbm>> -> memref<10000x128xf32, #tpu.memory_space<hbm>>
    %dma_start3A_43 = tpu.memref_slice %arg7[%dma_start3A_32] : memref<8x!tpu.dma_semaphore, #tpu.memory_space<semaphore_mem>> -> memref<1x!tpu.dma_semaphore, #tpu.memory_space<semaphore_mem>>
    %dma_start3A_44 = tpu.memref_squeeze %dma_start3A_43 : memref<1x!tpu.dma_semaphore, #tpu.memory_space<semaphore_mem>> -> memref<!tpu.dma_semaphore, #tpu.memory_space<semaphore_mem>>
    tpu.enqueue_indirect_dma source(%dma_start3A_42 : memref<10000x128xf32, #tpu.memory_space<hbm>>) target(%dma_start3A_36 : memref<80x128xf32, #tpu.memory_space<vmem>>) offsets(%dma_start3A_39 : memref<80xi32, #tpu.memory_space<vmem>>) semaphore(%dma_start3A_44 : memref<!tpu.dma_semaphore, #tpu.memory_space<semaphore_mem>>)
    %dma_start3A_45 = arith.constant 3 : i32
    %dma_start3A_46 = arith.constant 3 : i32
    %dma_start3A_47 = arith.constant 3 : i32
    %dma_start3A_48 = arith.constant 0 : i32
    %dma_start3A_49 = arith.constant 0 : i32
    %dma_start3A_50 = tpu.memref_slice %arg6[%dma_start3A_46, %dma_start3A_48, %dma_start3A_49] : memref<8x80x128xf32, #tpu.memory_space<vmem>> -> memref<1x80x128xf32, #tpu.memory_space<vmem>>
    %dma_start3A_51 = tpu.memref_squeeze %dma_start3A_50 : memref<1x80x128xf32, #tpu.memory_space<vmem>> -> memref<80x128xf32, #tpu.memory_space<vmem>>
    %dma_start3A_52 = arith.constant 0 : i32
    %dma_start3A_53 = tpu.memref_slice %arg5[%dma_start3A_45, %dma_start3A_52] : memref<125x80xi32, #tpu.memory_space<vmem>> -> memref<1x80xi32, #tpu.memory_space<vmem>>
    %dma_start3A_54 = tpu.memref_squeeze %dma_start3A_53 : memref<1x80xi32, #tpu.memory_space<vmem>> -> memref<80xi32, #tpu.memory_space<vmem>>
    %dma_start3A_55 = arith.constant 0 : i32
    %dma_start3A_56 = arith.constant 0 : i32
    %dma_start3A_57 = tpu.memref_slice %arg2[%dma_start3A_55, %dma_start3A_56] : memref<10000x128xf32, #tpu.memory_space<hbm>> -> memref<10000x128xf32, #tpu.memory_space<hbm>>
    %dma_start3A_58 = tpu.memref_slice %arg7[%dma_start3A_47] : memref<8x!tpu.dma_semaphore, #tpu.memory_space<semaphore_mem>> -> memref<1x!tpu.dma_semaphore, #tpu.memory_space<semaphore_mem>>
    %dma_start3A_59 = tpu.memref_squeeze %dma_start3A_58 : memref<1x!tpu.dma_semaphore, #tpu.memory_space<semaphore_mem>> -> memref<!tpu.dma_semaphore, #tpu.memory_space<semaphore_mem>>
    tpu.enqueue_indirect_dma source(%dma_start3A_57 : memref<10000x128xf32, #tpu.memory_space<hbm>>) target(%dma_start3A_51 : memref<80x128xf32, #tpu.memory_space<vmem>>) offsets(%dma_start3A_54 : memref<80xi32, #tpu.memory_space<vmem>>) semaphore(%dma_start3A_59 : memref<!tpu.dma_semaphore, #tpu.memory_space<semaphore_mem>>)
    %scan3A = arith.constant 0 : i32
    %scan3A_60 = arith.constant 0 : i32
    %scan3A_61 = arith.constant 125 : i32
    %scan3A_62 = arith.addi %scan3A_60, %scan3A_61 : i32
    %scan3A_63 = arith.constant 1 : i32
    scf.for %scan3A_224 = %scan3A_60 to %scan3A_62 step %scan3A_63  : i32 {
      %rem3A = arith.constant 8 : i32
      %rem3A_225 = arith.remsi %scan3A_224, %rem3A : i32
      %mul3A_226 = arith.constant 10000 : i32
      %mul3A_227 = arith.muli %add3A, %mul3A_226 : i32
      %mul3A_228 = arith.constant 80 : i32
      %mul3A_229 = arith.muli %scan3A_224, %mul3A_228 : i32
      %add3A_230 = arith.addi %mul3A_227, %mul3A_229 : i32
      %add3A_231 = arith.constant 4 : i32
      %add3A_232 = arith.addi %scan3A_224, %add3A_231 : i32
      %lt3A = arith.constant 125 : i32
      %lt3A_233 = arith.cmpi slt, %add3A_232, %lt3A : i32
      %convert_element_type3A = arith.extui %lt3A_233 : i1 to i32
      %cond3A = arith.constant 0 : i32
      %cond3A_234 = arith.cmpi ne, %convert_element_type3A, %cond3A : i32
      scf.if %cond3A_234 {
        %add3A_261 = arith.constant 4 : i32
        %add3A_262 = arith.addi %scan3A_224, %add3A_261 : i32
        %rem3A_263 = arith.constant 8 : i32
        %rem3A_264 = arith.remsi %add3A_262, %rem3A_263 : i32
        %add3A_265 = arith.constant 4 : i32
        %add3A_266 = arith.addi %scan3A_224, %add3A_265 : i32
        %ge3A = arith.constant 8 : i32
        %ge3A_267 = arith.cmpi sge, %add3A_266, %ge3A : i32
        %convert_element_type3A_268 = arith.extui %ge3A_267 : i1 to i32
        %cond3A_269 = arith.constant 0 : i32
        %cond3A_270 = arith.cmpi ne, %convert_element_type3A_268, %cond3A_269 : i32
        scf.if %cond3A_270 {
          %mul3A_285 = arith.constant 10000 : i32
          %mul3A_286 = arith.muli %add3A, %mul3A_285 : i32
          %add3A_287 = arith.constant 4 : i32
          %add3A_288 = arith.addi %scan3A_224, %add3A_287 : i32
          %sub3A = arith.constant 8 : i32
          %sub3A_289 = arith.subi %add3A_288, %sub3A : i32
          %mul3A_290 = arith.constant 80 : i32
          %mul3A_291 = arith.muli %sub3A_289, %mul3A_290 : i32
          %add3A_292 = arith.addi %mul3A_286, %mul3A_291 : i32
          %dma_wait3A_293 = arith.constant 0 : i32
          %dma_wait3A_294 = arith.constant 0 : i32
          %dma_wait3A_295 = tpu.memref_slice %arg6[%rem3A_264, %dma_wait3A_293, %dma_wait3A_294] : memref<8x80x128xf32, #tpu.memory_space<vmem>> -> memref<1x80x128xf32, #tpu.memory_space<vmem>>
          %dma_wait3A_296 = tpu.memref_squeeze %dma_wait3A_295 : memref<1x80x128xf32, #tpu.memory_space<vmem>> -> memref<80x128xf32, #tpu.memory_space<vmem>>
          %dma_wait3A_297 = arith.constant 0 : i32
          %dma_wait3A_298 = tpu.memref_slice %arg4[%add3A_292, %dma_wait3A_297] : memref<320000x128xf32, #tpu.memory_space<hbm>> -> memref<80x128xf32, #tpu.memory_space<hbm>>
          %dma_wait3A_299 = tpu.memref_slice %arg8[%rem3A_264] : memref<8x!tpu.dma_semaphore, #tpu.memory_space<semaphore_mem>> -> memref<1x!tpu.dma_semaphore, #tpu.memory_space<semaphore_mem>>
          %dma_wait3A_300 = tpu.memref_squeeze %dma_wait3A_299 : memref<1x!tpu.dma_semaphore, #tpu.memory_space<semaphore_mem>> -> memref<!tpu.dma_semaphore, #tpu.memory_space<semaphore_mem>>
          %dma_wait3A_301 = arith.constant 0 : i32
          %dma_wait3A_302 = tpu.memref_slice %arg4[%add3A_292, %dma_wait3A_301] : memref<320000x128xf32, #tpu.memory_space<hbm>> -> memref<80x128xf32, #tpu.memory_space<hbm>>
          %dma_wait3A_303 = arith.constant 0 : i32
          %dma_wait3A_304 = arith.constant 0 : i32
          %dma_wait3A_305 = tpu.memref_slice %arg6[%rem3A_264, %dma_wait3A_303, %dma_wait3A_304] : memref<8x80x128xf32, #tpu.memory_space<vmem>> -> memref<1x80x128xf32, #tpu.memory_space<vmem>>
          %dma_wait3A_306 = tpu.memref_squeeze %dma_wait3A_305 : memref<1x80x128xf32, #tpu.memory_space<vmem>> -> memref<80x128xf32, #tpu.memory_space<vmem>>
          tpu.wait_dma2 semaphore(%dma_wait3A_300 : memref<!tpu.dma_semaphore, #tpu.memory_space<semaphore_mem>>) src(%dma_wait3A_306 : memref<80x128xf32, #tpu.memory_space<vmem>>) dst(%dma_wait3A_302 : memref<80x128xf32, #tpu.memory_space<hbm>>)
        } else {
        }
        %add3A_271 = arith.constant 4 : i32
        %add3A_272 = arith.addi %scan3A_224, %add3A_271 : i32
        %dma_start3A_273 = arith.constant 0 : i32
        %dma_start3A_274 = arith.constant 0 : i32
        %dma_start3A_275 = tpu.memref_slice %arg6[%rem3A_264, %dma_start3A_273, %dma_start3A_274] : memref<8x80x128xf32, #tpu.memory_space<vmem>> -> memref<1x80x128xf32, #tpu.memory_space<vmem>>
        %dma_start3A_276 = tpu.memref_squeeze %dma_start3A_275 : memref<1x80x128xf32, #tpu.memory_space<vmem>> -> memref<80x128xf32, #tpu.memory_space<vmem>>
        %dma_start3A_277 = arith.constant 0 : i32
        %dma_start3A_278 = tpu.memref_slice %arg5[%add3A_272, %dma_start3A_277] : memref<125x80xi32, #tpu.memory_space<vmem>> -> memref<1x80xi32, #tpu.memory_space<vmem>>
        %dma_start3A_279 = tpu.memref_squeeze %dma_start3A_278 : memref<1x80xi32, #tpu.memory_space<vmem>> -> memref<80xi32, #tpu.memory_space<vmem>>
        %dma_start3A_280 = arith.constant 0 : i32
        %dma_start3A_281 = arith.constant 0 : i32
        %dma_start3A_282 = tpu.memref_slice %arg2[%dma_start3A_280, %dma_start3A_281] : memref<10000x128xf32, #tpu.memory_space<hbm>> -> memref<10000x128xf32, #tpu.memory_space<hbm>>
        %dma_start3A_283 = tpu.memref_slice %arg7[%rem3A_264] : memref<8x!tpu.dma_semaphore, #tpu.memory_space<semaphore_mem>> -> memref<1x!tpu.dma_semaphore, #tpu.memory_space<semaphore_mem>>
        %dma_start3A_284 = tpu.memref_squeeze %dma_start3A_283 : memref<1x!tpu.dma_semaphore, #tpu.memory_space<semaphore_mem>> -> memref<!tpu.dma_semaphore, #tpu.memory_space<semaphore_mem>>
        tpu.enqueue_indirect_dma source(%dma_start3A_282 : memref<10000x128xf32, #tpu.memory_space<hbm>>) target(%dma_start3A_276 : memref<80x128xf32, #tpu.memory_space<vmem>>) offsets(%dma_start3A_279 : memref<80xi32, #tpu.memory_space<vmem>>) semaphore(%dma_start3A_284 : memref<!tpu.dma_semaphore, #tpu.memory_space<semaphore_mem>>)
      } else {
      }
      %dma_wait3A_235 = arith.constant 0 : i32
      %dma_wait3A_236 = arith.constant 0 : i32
      %dma_wait3A_237 = tpu.memref_slice %arg6[%rem3A_225, %dma_wait3A_235, %dma_wait3A_236] : memref<8x80x128xf32, #tpu.memory_space<vmem>> -> memref<1x80x128xf32, #tpu.memory_space<vmem>>
      %dma_wait3A_238 = tpu.memref_squeeze %dma_wait3A_237 : memref<1x80x128xf32, #tpu.memory_space<vmem>> -> memref<80x128xf32, #tpu.memory_space<vmem>>
      %dma_wait3A_239 = arith.constant 0 : i32
      %dma_wait3A_240 = tpu.memref_slice %arg5[%scan3A_224, %dma_wait3A_239] : memref<125x80xi32, #tpu.memory_space<vmem>> -> memref<1x80xi32, #tpu.memory_space<vmem>>
      %dma_wait3A_241 = tpu.memref_squeeze %dma_wait3A_240 : memref<1x80xi32, #tpu.memory_space<vmem>> -> memref<80xi32, #tpu.memory_space<vmem>>
      %dma_wait3A_242 = arith.constant 0 : i32
      %dma_wait3A_243 = arith.constant 0 : i32
      %dma_wait3A_244 = tpu.memref_slice %arg2[%dma_wait3A_242, %dma_wait3A_243] : memref<10000x128xf32, #tpu.memory_space<hbm>> -> memref<10000x128xf32, #tpu.memory_space<hbm>>
      %dma_wait3A_245 = tpu.memref_slice %arg7[%rem3A_225] : memref<8x!tpu.dma_semaphore, #tpu.memory_space<semaphore_mem>> -> memref<1x!tpu.dma_semaphore, #tpu.memory_space<semaphore_mem>>
      %dma_wait3A_246 = tpu.memref_squeeze %dma_wait3A_245 : memref<1x!tpu.dma_semaphore, #tpu.memory_space<semaphore_mem>> -> memref<!tpu.dma_semaphore, #tpu.memory_space<semaphore_mem>>
      tpu.wait_indirect_dma semaphore(%dma_wait3A_246 : memref<!tpu.dma_semaphore, #tpu.memory_space<semaphore_mem>>) src(%dma_wait3A_244 : memref<10000x128xf32, #tpu.memory_space<hbm>>) dst(%dma_wait3A_238 : memref<80x128xf32, #tpu.memory_space<vmem>>)
      %dma_start3A_247 = arith.constant 0 : i32
      %dma_start3A_248 = arith.constant 0 : i32
      %dma_start3A_249 = tpu.memref_slice %arg6[%rem3A_225, %dma_start3A_247, %dma_start3A_248] : memref<8x80x128xf32, #tpu.memory_space<vmem>> -> memref<1x80x128xf32, #tpu.memory_space<vmem>>
      %dma_start3A_250 = tpu.memref_squeeze %dma_start3A_249 : memref<1x80x128xf32, #tpu.memory_space<vmem>> -> memref<80x128xf32, #tpu.memory_space<vmem>>
      %dma_start3A_251 = arith.constant 0 : i32
      %dma_start3A_252 = tpu.memref_slice %arg4[%add3A_230, %dma_start3A_251] : memref<320000x128xf32, #tpu.memory_space<hbm>> -> memref<80x128xf32, #tpu.memory_space<hbm>>
      %dma_start3A_253 = tpu.memref_slice %arg8[%rem3A_225] : memref<8x!tpu.dma_semaphore, #tpu.memory_space<semaphore_mem>> -> memref<1x!tpu.dma_semaphore, #tpu.memory_space<semaphore_mem>>
      %dma_start3A_254 = tpu.memref_squeeze %dma_start3A_253 : memref<1x!tpu.dma_semaphore, #tpu.memory_space<semaphore_mem>> -> memref<!tpu.dma_semaphore, #tpu.memory_space<semaphore_mem>>
      %dma_start3A_255 = arith.constant 0 : i32
      %dma_start3A_256 = tpu.memref_slice %arg4[%add3A_230, %dma_start3A_255] : memref<320000x128xf32, #tpu.memory_space<hbm>> -> memref<80x128xf32, #tpu.memory_space<hbm>>
      %dma_start3A_257 = arith.constant 0 : i32
      %dma_start3A_258 = arith.constant 0 : i32
      %dma_start3A_259 = tpu.memref_slice %arg6[%rem3A_225, %dma_start3A_257, %dma_start3A_258] : memref<8x80x128xf32, #tpu.memory_space<vmem>> -> memref<1x80x128xf32, #tpu.memory_space<vmem>>
      %dma_start3A_260 = tpu.memref_squeeze %dma_start3A_259 : memref<1x80x128xf32, #tpu.memory_space<vmem>> -> memref<80x128xf32, #tpu.memory_space<vmem>>
      tpu.enqueue_dma source(%dma_start3A_260 : memref<80x128xf32, #tpu.memory_space<vmem>>) target(%dma_start3A_256 : memref<80x128xf32, #tpu.memory_space<hbm>>) target_semaphore(%dma_start3A_254 : memref<!tpu.dma_semaphore, #tpu.memory_space<semaphore_mem>>)
    }
    %scan3A_64 = arith.constant 125 : i32
    %mul3A_65 = arith.constant 10000 : i32
    %mul3A_66 = arith.muli %add3A, %mul3A_65 : i32
    %add3A_67 = arith.constant 9360 : i32
    %add3A_68 = arith.addi %mul3A_66, %add3A_67 : i32
    %dma_wait3A = arith.constant 5 : i32
    %dma_wait3A_69 = arith.constant 5 : i32
    %dma_wait3A_70 = arith.constant 0 : i32
    %dma_wait3A_71 = arith.constant 0 : i32
    %dma_wait3A_72 = tpu.memref_slice %arg6[%dma_wait3A, %dma_wait3A_70, %dma_wait3A_71] : memref<8x80x128xf32, #tpu.memory_space<vmem>> -> memref<1x80x128xf32, #tpu.memory_space<vmem>>
    %dma_wait3A_73 = tpu.memref_squeeze %dma_wait3A_72 : memref<1x80x128xf32, #tpu.memory_space<vmem>> -> memref<80x128xf32, #tpu.memory_space<vmem>>
    %dma_wait3A_74 = arith.constant 0 : i32
    %dma_wait3A_75 = tpu.memref_slice %arg4[%add3A_68, %dma_wait3A_74] : memref<320000x128xf32, #tpu.memory_space<hbm>> -> memref<80x128xf32, #tpu.memory_space<hbm>>
    %dma_wait3A_76 = tpu.memref_slice %arg8[%dma_wait3A_69] : memref<8x!tpu.dma_semaphore, #tpu.memory_space<semaphore_mem>> -> memref<1x!tpu.dma_semaphore, #tpu.memory_space<semaphore_mem>>
    %dma_wait3A_77 = tpu.memref_squeeze %dma_wait3A_76 : memref<1x!tpu.dma_semaphore, #tpu.memory_space<semaphore_mem>> -> memref<!tpu.dma_semaphore, #tpu.memory_space<semaphore_mem>>
    %dma_wait3A_78 = arith.constant 0 : i32
    %dma_wait3A_79 = tpu.memref_slice %arg4[%add3A_68, %dma_wait3A_78] : memref<320000x128xf32, #tpu.memory_space<hbm>> -> memref<80x128xf32, #tpu.memory_space<hbm>>
    %dma_wait3A_80 = arith.constant 0 : i32
    %dma_wait3A_81 = arith.constant 0 : i32
    %dma_wait3A_82 = tpu.memref_slice %arg6[%dma_wait3A, %dma_wait3A_80, %dma_wait3A_81] : memref<8x80x128xf32, #tpu.memory_space<vmem>> -> memref<1x80x128xf32, #tpu.memory_space<vmem>>
    %dma_wait3A_83 = tpu.memref_squeeze %dma_wait3A_82 : memref<1x80x128xf32, #tpu.memory_space<vmem>> -> memref<80x128xf32, #tpu.memory_space<vmem>>
    tpu.wait_dma2 semaphore(%dma_wait3A_77 : memref<!tpu.dma_semaphore, #tpu.memory_space<semaphore_mem>>) src(%dma_wait3A_83 : memref<80x128xf32, #tpu.memory_space<vmem>>) dst(%dma_wait3A_79 : memref<80x128xf32, #tpu.memory_space<hbm>>)
    %mul3A_84 = arith.constant 10000 : i32
    %mul3A_85 = arith.muli %add3A, %mul3A_84 : i32
    %add3A_86 = arith.constant 9440 : i32
    %add3A_87 = arith.addi %mul3A_85, %add3A_86 : i32
    %dma_wait3A_88 = arith.constant 6 : i32
    %dma_wait3A_89 = arith.constant 6 : i32
    %dma_wait3A_90 = arith.constant 0 : i32
    %dma_wait3A_91 = arith.constant 0 : i32
    %dma_wait3A_92 = tpu.memref_slice %arg6[%dma_wait3A_88, %dma_wait3A_90, %dma_wait3A_91] : memref<8x80x128xf32, #tpu.memory_space<vmem>> -> memref<1x80x128xf32, #tpu.memory_space<vmem>>
    %dma_wait3A_93 = tpu.memref_squeeze %dma_wait3A_92 : memref<1x80x128xf32, #tpu.memory_space<vmem>> -> memref<80x128xf32, #tpu.memory_space<vmem>>
    %dma_wait3A_94 = arith.constant 0 : i32
    %dma_wait3A_95 = tpu.memref_slice %arg4[%add3A_87, %dma_wait3A_94] : memref<320000x128xf32, #tpu.memory_space<hbm>> -> memref<80x128xf32, #tpu.memory_space<hbm>>
    %dma_wait3A_96 = tpu.memref_slice %arg8[%dma_wait3A_89] : memref<8x!tpu.dma_semaphore, #tpu.memory_space<semaphore_mem>> -> memref<1x!tpu.dma_semaphore, #tpu.memory_space<semaphore_mem>>
    %dma_wait3A_97 = tpu.memref_squeeze %dma_wait3A_96 : memref<1x!tpu.dma_semaphore, #tpu.memory_space<semaphore_mem>> -> memref<!tpu.dma_semaphore, #tpu.memory_space<semaphore_mem>>
    %dma_wait3A_98 = arith.constant 0 : i32
    %dma_wait3A_99 = tpu.memref_slice %arg4[%add3A_87, %dma_wait3A_98] : memref<320000x128xf32, #tpu.memory_space<hbm>> -> memref<80x128xf32, #tpu.memory_space<hbm>>
    %dma_wait3A_100 = arith.constant 0 : i32
    %dma_wait3A_101 = arith.constant 0 : i32
    %dma_wait3A_102 = tpu.memref_slice %arg6[%dma_wait3A_88, %dma_wait3A_100, %dma_wait3A_101] : memref<8x80x128xf32, #tpu.memory_space<vmem>> -> memref<1x80x128xf32, #tpu.memory_space<vmem>>
    %dma_wait3A_103 = tpu.memref_squeeze %dma_wait3A_102 : memref<1x80x128xf32, #tpu.memory_space<vmem>> -> memref<80x128xf32, #tpu.memory_space<vmem>>
    tpu.wait_dma2 semaphore(%dma_wait3A_97 : memref<!tpu.dma_semaphore, #tpu.memory_space<semaphore_mem>>) src(%dma_wait3A_103 : memref<80x128xf32, #tpu.memory_space<vmem>>) dst(%dma_wait3A_99 : memref<80x128xf32, #tpu.memory_space<hbm>>)
    %mul3A_104 = arith.constant 10000 : i32
    %mul3A_105 = arith.muli %add3A, %mul3A_104 : i32
    %add3A_106 = arith.constant 9520 : i32
    %add3A_107 = arith.addi %mul3A_105, %add3A_106 : i32
    %dma_wait3A_108 = arith.constant 7 : i32
    %dma_wait3A_109 = arith.constant 7 : i32
    %dma_wait3A_110 = arith.constant 0 : i32
    %dma_wait3A_111 = arith.constant 0 : i32
    %dma_wait3A_112 = tpu.memref_slice %arg6[%dma_wait3A_108, %dma_wait3A_110, %dma_wait3A_111] : memref<8x80x128xf32, #tpu.memory_space<vmem>> -> memref<1x80x128xf32, #tpu.memory_space<vmem>>
    %dma_wait3A_113 = tpu.memref_squeeze %dma_wait3A_112 : memref<1x80x128xf32, #tpu.memory_space<vmem>> -> memref<80x128xf32, #tpu.memory_space<vmem>>
    %dma_wait3A_114 = arith.constant 0 : i32
    %dma_wait3A_115 = tpu.memref_slice %arg4[%add3A_107, %dma_wait3A_114] : memref<320000x128xf32, #tpu.memory_space<hbm>> -> memref<80x128xf32, #tpu.memory_space<hbm>>
    %dma_wait3A_116 = tpu.memref_slice %arg8[%dma_wait3A_109] : memref<8x!tpu.dma_semaphore, #tpu.memory_space<semaphore_mem>> -> memref<1x!tpu.dma_semaphore, #tpu.memory_space<semaphore_mem>>
    %dma_wait3A_117 = tpu.memref_squeeze %dma_wait3A_116 : memref<1x!tpu.dma_semaphore, #tpu.memory_space<semaphore_mem>> -> memref<!tpu.dma_semaphore, #tpu.memory_space<semaphore_mem>>
    %dma_wait3A_118 = arith.constant 0 : i32
    %dma_wait3A_119 = tpu.memref_slice %arg4[%add3A_107, %dma_wait3A_118] : memref<320000x128xf32, #tpu.memory_space<hbm>> -> memref<80x128xf32, #tpu.memory_space<hbm>>
    %dma_wait3A_120 = arith.constant 0 : i32
    %dma_wait3A_121 = arith.constant 0 : i32
    %dma_wait3A_122 = tpu.memref_slice %arg6[%dma_wait3A_108, %dma_wait3A_120, %dma_wait3A_121] : memref<8x80x128xf32, #tpu.memory_space<vmem>> -> memref<1x80x128xf32, #tpu.memory_space<vmem>>
    %dma_wait3A_123 = tpu.memref_squeeze %dma_wait3A_122 : memref<1x80x128xf32, #tpu.memory_space<vmem>> -> memref<80x128xf32, #tpu.memory_space<vmem>>
    tpu.wait_dma2 semaphore(%dma_wait3A_117 : memref<!tpu.dma_semaphore, #tpu.memory_space<semaphore_mem>>) src(%dma_wait3A_123 : memref<80x128xf32, #tpu.memory_space<vmem>>) dst(%dma_wait3A_119 : memref<80x128xf32, #tpu.memory_space<hbm>>)
    %mul3A_124 = arith.constant 10000 : i32
    %mul3A_125 = arith.muli %add3A, %mul3A_124 : i32
    %add3A_126 = arith.constant 9600 : i32
    %add3A_127 = arith.addi %mul3A_125, %add3A_126 : i32
    %dma_wait3A_128 = arith.constant 0 : i32
    %dma_wait3A_129 = arith.constant 0 : i32
    %dma_wait3A_130 = arith.constant 0 : i32
    %dma_wait3A_131 = arith.constant 0 : i32
    %dma_wait3A_132 = tpu.memref_slice %arg6[%dma_wait3A_128, %dma_wait3A_130, %dma_wait3A_131] : memref<8x80x128xf32, #tpu.memory_space<vmem>> -> memref<1x80x128xf32, #tpu.memory_space<vmem>>
    %dma_wait3A_133 = tpu.memref_squeeze %dma_wait3A_132 : memref<1x80x128xf32, #tpu.memory_space<vmem>> -> memref<80x128xf32, #tpu.memory_space<vmem>>
    %dma_wait3A_134 = arith.constant 0 : i32
    %dma_wait3A_135 = tpu.memref_slice %arg4[%add3A_127, %dma_wait3A_134] : memref<320000x128xf32, #tpu.memory_space<hbm>> -> memref<80x128xf32, #tpu.memory_space<hbm>>
    %dma_wait3A_136 = tpu.memref_slice %arg8[%dma_wait3A_129] : memref<8x!tpu.dma_semaphore, #tpu.memory_space<semaphore_mem>> -> memref<1x!tpu.dma_semaphore, #tpu.memory_space<semaphore_mem>>
    %dma_wait3A_137 = tpu.memref_squeeze %dma_wait3A_136 : memref<1x!tpu.dma_semaphore, #tpu.memory_space<semaphore_mem>> -> memref<!tpu.dma_semaphore, #tpu.memory_space<semaphore_mem>>
    %dma_wait3A_138 = arith.constant 0 : i32
    %dma_wait3A_139 = tpu.memref_slice %arg4[%add3A_127, %dma_wait3A_138] : memref<320000x128xf32, #tpu.memory_space<hbm>> -> memref<80x128xf32, #tpu.memory_space<hbm>>
    %dma_wait3A_140 = arith.constant 0 : i32
    %dma_wait3A_141 = arith.constant 0 : i32
    %dma_wait3A_142 = tpu.memref_slice %arg6[%dma_wait3A_128, %dma_wait3A_140, %dma_wait3A_141] : memref<8x80x128xf32, #tpu.memory_space<vmem>> -> memref<1x80x128xf32, #tpu.memory_space<vmem>>
    %dma_wait3A_143 = tpu.memref_squeeze %dma_wait3A_142 : memref<1x80x128xf32, #tpu.memory_space<vmem>> -> memref<80x128xf32, #tpu.memory_space<vmem>>
    tpu.wait_dma2 semaphore(%dma_wait3A_137 : memref<!tpu.dma_semaphore, #tpu.memory_space<semaphore_mem>>) src(%dma_wait3A_143 : memref<80x128xf32, #tpu.memory_space<vmem>>) dst(%dma_wait3A_139 : memref<80x128xf32, #tpu.memory_space<hbm>>)
    %mul3A_144 = arith.constant 10000 : i32
    %mul3A_145 = arith.muli %add3A, %mul3A_144 : i32
    %add3A_146 = arith.constant 9680 : i32
    %add3A_147 = arith.addi %mul3A_145, %add3A_146 : i32
    %dma_wait3A_148 = arith.constant 1 : i32
    %dma_wait3A_149 = arith.constant 1 : i32
    %dma_wait3A_150 = arith.constant 0 : i32
    %dma_wait3A_151 = arith.constant 0 : i32
    %dma_wait3A_152 = tpu.memref_slice %arg6[%dma_wait3A_148, %dma_wait3A_150, %dma_wait3A_151] : memref<8x80x128xf32, #tpu.memory_space<vmem>> -> memref<1x80x128xf32, #tpu.memory_space<vmem>>
    %dma_wait3A_153 = tpu.memref_squeeze %dma_wait3A_152 : memref<1x80x128xf32, #tpu.memory_space<vmem>> -> memref<80x128xf32, #tpu.memory_space<vmem>>
    %dma_wait3A_154 = arith.constant 0 : i32
    %dma_wait3A_155 = tpu.memref_slice %arg4[%add3A_147, %dma_wait3A_154] : memref<320000x128xf32, #tpu.memory_space<hbm>> -> memref<80x128xf32, #tpu.memory_space<hbm>>
    %dma_wait3A_156 = tpu.memref_slice %arg8[%dma_wait3A_149] : memref<8x!tpu.dma_semaphore, #tpu.memory_space<semaphore_mem>> -> memref<1x!tpu.dma_semaphore, #tpu.memory_space<semaphore_mem>>
    %dma_wait3A_157 = tpu.memref_squeeze %dma_wait3A_156 : memref<1x!tpu.dma_semaphore, #tpu.memory_space<semaphore_mem>> -> memref<!tpu.dma_semaphore, #tpu.memory_space<semaphore_mem>>
    %dma_wait3A_158 = arith.constant 0 : i32
    %dma_wait3A_159 = tpu.memref_slice %arg4[%add3A_147, %dma_wait3A_158] : memref<320000x128xf32, #tpu.memory_space<hbm>> -> memref<80x128xf32, #tpu.memory_space<hbm>>
    %dma_wait3A_160 = arith.constant 0 : i32
    %dma_wait3A_161 = arith.constant 0 : i32
    %dma_wait3A_162 = tpu.memref_slice %arg6[%dma_wait3A_148, %dma_wait3A_160, %dma_wait3A_161] : memref<8x80x128xf32, #tpu.memory_space<vmem>> -> memref<1x80x128xf32, #tpu.memory_space<vmem>>
    %dma_wait3A_163 = tpu.memref_squeeze %dma_wait3A_162 : memref<1x80x128xf32, #tpu.memory_space<vmem>> -> memref<80x128xf32, #tpu.memory_space<vmem>>
    tpu.wait_dma2 semaphore(%dma_wait3A_157 : memref<!tpu.dma_semaphore, #tpu.memory_space<semaphore_mem>>) src(%dma_wait3A_163 : memref<80x128xf32, #tpu.memory_space<vmem>>) dst(%dma_wait3A_159 : memref<80x128xf32, #tpu.memory_space<hbm>>)
    %mul3A_164 = arith.constant 10000 : i32
    %mul3A_165 = arith.muli %add3A, %mul3A_164 : i32
    %add3A_166 = arith.constant 9760 : i32
    %add3A_167 = arith.addi %mul3A_165, %add3A_166 : i32
    %dma_wait3A_168 = arith.constant 2 : i32
    %dma_wait3A_169 = arith.constant 2 : i32
    %dma_wait3A_170 = arith.constant 0 : i32
    %dma_wait3A_171 = arith.constant 0 : i32
    %dma_wait3A_172 = tpu.memref_slice %arg6[%dma_wait3A_168, %dma_wait3A_170, %dma_wait3A_171] : memref<8x80x128xf32, #tpu.memory_space<vmem>> -> memref<1x80x128xf32, #tpu.memory_space<vmem>>
    %dma_wait3A_173 = tpu.memref_squeeze %dma_wait3A_172 : memref<1x80x128xf32, #tpu.memory_space<vmem>> -> memref<80x128xf32, #tpu.memory_space<vmem>>
    %dma_wait3A_174 = arith.constant 0 : i32
    %dma_wait3A_175 = tpu.memref_slice %arg4[%add3A_167, %dma_wait3A_174] : memref<320000x128xf32, #tpu.memory_space<hbm>> -> memref<80x128xf32, #tpu.memory_space<hbm>>
    %dma_wait3A_176 = tpu.memref_slice %arg8[%dma_wait3A_169] : memref<8x!tpu.dma_semaphore, #tpu.memory_space<semaphore_mem>> -> memref<1x!tpu.dma_semaphore, #tpu.memory_space<semaphore_mem>>
    %dma_wait3A_177 = tpu.memref_squeeze %dma_wait3A_176 : memref<1x!tpu.dma_semaphore, #tpu.memory_space<semaphore_mem>> -> memref<!tpu.dma_semaphore, #tpu.memory_space<semaphore_mem>>
    %dma_wait3A_178 = arith.constant 0 : i32
    %dma_wait3A_179 = tpu.memref_slice %arg4[%add3A_167, %dma_wait3A_178] : memref<320000x128xf32, #tpu.memory_space<hbm>> -> memref<80x128xf32, #tpu.memory_space<hbm>>
    %dma_wait3A_180 = arith.constant 0 : i32
    %dma_wait3A_181 = arith.constant 0 : i32
    %dma_wait3A_182 = tpu.memref_slice %arg6[%dma_wait3A_168, %dma_wait3A_180, %dma_wait3A_181] : memref<8x80x128xf32, #tpu.memory_space<vmem>> -> memref<1x80x128xf32, #tpu.memory_space<vmem>>
    %dma_wait3A_183 = tpu.memref_squeeze %dma_wait3A_182 : memref<1x80x128xf32, #tpu.memory_space<vmem>> -> memref<80x128xf32, #tpu.memory_space<vmem>>
    tpu.wait_dma2 semaphore(%dma_wait3A_177 : memref<!tpu.dma_semaphore, #tpu.memory_space<semaphore_mem>>) src(%dma_wait3A_183 : memref<80x128xf32, #tpu.memory_space<vmem>>) dst(%dma_wait3A_179 : memref<80x128xf32, #tpu.memory_space<hbm>>)
    %mul3A_184 = arith.constant 10000 : i32
    %mul3A_185 = arith.muli %add3A, %mul3A_184 : i32
    %add3A_186 = arith.constant 9840 : i32
    %add3A_187 = arith.addi %mul3A_185, %add3A_186 : i32
    %dma_wait3A_188 = arith.constant 3 : i32
    %dma_wait3A_189 = arith.constant 3 : i32
    %dma_wait3A_190 = arith.constant 0 : i32
    %dma_wait3A_191 = arith.constant 0 : i32
    %dma_wait3A_192 = tpu.memref_slice %arg6[%dma_wait3A_188, %dma_wait3A_190, %dma_wait3A_191] : memref<8x80x128xf32, #tpu.memory_space<vmem>> -> memref<1x80x128xf32, #tpu.memory_space<vmem>>
    %dma_wait3A_193 = tpu.memref_squeeze %dma_wait3A_192 : memref<1x80x128xf32, #tpu.memory_space<vmem>> -> memref<80x128xf32, #tpu.memory_space<vmem>>
    %dma_wait3A_194 = arith.constant 0 : i32
    %dma_wait3A_195 = tpu.memref_slice %arg4[%add3A_187, %dma_wait3A_194] : memref<320000x128xf32, #tpu.memory_space<hbm>> -> memref<80x128xf32, #tpu.memory_space<hbm>>
    %dma_wait3A_196 = tpu.memref_slice %arg8[%dma_wait3A_189] : memref<8x!tpu.dma_semaphore, #tpu.memory_space<semaphore_mem>> -> memref<1x!tpu.dma_semaphore, #tpu.memory_space<semaphore_mem>>
    %dma_wait3A_197 = tpu.memref_squeeze %dma_wait3A_196 : memref<1x!tpu.dma_semaphore, #tpu.memory_space<semaphore_mem>> -> memref<!tpu.dma_semaphore, #tpu.memory_space<semaphore_mem>>
    %dma_wait3A_198 = arith.constant 0 : i32
    %dma_wait3A_199 = tpu.memref_slice %arg4[%add3A_187, %dma_wait3A_198] : memref<320000x128xf32, #tpu.memory_space<hbm>> -> memref<80x128xf32, #tpu.memory_space<hbm>>
    %dma_wait3A_200 = arith.constant 0 : i32
    %dma_wait3A_201 = arith.constant 0 : i32
    %dma_wait3A_202 = tpu.memref_slice %arg6[%dma_wait3A_188, %dma_wait3A_200, %dma_wait3A_201] : memref<8x80x128xf32, #tpu.memory_space<vmem>> -> memref<1x80x128xf32, #tpu.memory_space<vmem>>
    %dma_wait3A_203 = tpu.memref_squeeze %dma_wait3A_202 : memref<1x80x128xf32, #tpu.memory_space<vmem>> -> memref<80x128xf32, #tpu.memory_space<vmem>>
    tpu.wait_dma2 semaphore(%dma_wait3A_197 : memref<!tpu.dma_semaphore, #tpu.memory_space<semaphore_mem>>) src(%dma_wait3A_203 : memref<80x128xf32, #tpu.memory_space<vmem>>) dst(%dma_wait3A_199 : memref<80x128xf32, #tpu.memory_space<hbm>>)
    %mul3A_204 = arith.constant 10000 : i32
    %mul3A_205 = arith.muli %add3A, %mul3A_204 : i32
    %add3A_206 = arith.constant 9920 : i32
    %add3A_207 = arith.addi %mul3A_205, %add3A_206 : i32
    %dma_wait3A_208 = arith.constant 4 : i32
    %dma_wait3A_209 = arith.constant 4 : i32
    %dma_wait3A_210 = arith.constant 0 : i32
    %dma_wait3A_211 = arith.constant 0 : i32
    %dma_wait3A_212 = tpu.memref_slice %arg6[%dma_wait3A_208, %dma_wait3A_210, %dma_wait3A_211] : memref<8x80x128xf32, #tpu.memory_space<vmem>> -> memref<1x80x128xf32, #tpu.memory_space<vmem>>
    %dma_wait3A_213 = tpu.memref_squeeze %dma_wait3A_212 : memref<1x80x128xf32, #tpu.memory_space<vmem>> -> memref<80x128xf32, #tpu.memory_space<vmem>>
    %dma_wait3A_214 = arith.constant 0 : i32
    %dma_wait3A_215 = tpu.memref_slice %arg4[%add3A_207, %dma_wait3A_214] : memref<320000x128xf32, #tpu.memory_space<hbm>> -> memref<80x128xf32, #tpu.memory_space<hbm>>
    %dma_wait3A_216 = tpu.memref_slice %arg8[%dma_wait3A_209] : memref<8x!tpu.dma_semaphore, #tpu.memory_space<semaphore_mem>> -> memref<1x!tpu.dma_semaphore, #tpu.memory_space<semaphore_mem>>
    %dma_wait3A_217 = tpu.memref_squeeze %dma_wait3A_216 : memref<1x!tpu.dma_semaphore, #tpu.memory_space<semaphore_mem>> -> memref<!tpu.dma_semaphore, #tpu.memory_space<semaphore_mem>>
    %dma_wait3A_218 = arith.constant 0 : i32
    %dma_wait3A_219 = tpu.memref_slice %arg4[%add3A_207, %dma_wait3A_218] : memref<320000x128xf32, #tpu.memory_space<hbm>> -> memref<80x128xf32, #tpu.memory_space<hbm>>
    %dma_wait3A_220 = arith.constant 0 : i32
    %dma_wait3A_221 = arith.constant 0 : i32
    %dma_wait3A_222 = tpu.memref_slice %arg6[%dma_wait3A_208, %dma_wait3A_220, %dma_wait3A_221] : memref<8x80x128xf32, #tpu.memory_space<vmem>> -> memref<1x80x128xf32, #tpu.memory_space<vmem>>
    %dma_wait3A_223 = tpu.memref_squeeze %dma_wait3A_222 : memref<1x80x128xf32, #tpu.memory_space<vmem>> -> memref<80x128xf32, #tpu.memory_space<vmem>>
    tpu.wait_dma2 semaphore(%dma_wait3A_217 : memref<!tpu.dma_semaphore, #tpu.memory_space<semaphore_mem>>) src(%dma_wait3A_223 : memref<80x128xf32, #tpu.memory_space<vmem>>) dst(%dma_wait3A_219 : memref<80x128xf32, #tpu.memory_space<hbm>>)
    return
  }
}

module attributes {stable_mosaic.version = 14 : i64} {
  func.func @body(%arg0: i32, %arg1: memref<1000x128xf32, #tpu.memory_space<vmem>>, %arg2: memref<128x128xf32, #tpu.memory_space<vmem>>, %arg3: memref<1x128xf32, #tpu.memory_space<vmem>>, %arg4: memref<128x128xf32, #tpu.memory_space<vmem>>, %arg5: memref<1x128xf32, #tpu.memory_space<vmem>>, %arg6: memref<128x128xf32, #tpu.memory_space<vmem>>, %arg7: memref<1x128xf32, #tpu.memory_space<vmem>>, %arg8: memref<128x128xf32, #tpu.memory_space<vmem>>, %arg9: memref<1x128xf32, #tpu.memory_space<vmem>>, %arg10: memref<128x128xf32, #tpu.memory_space<vmem>>, %arg11: memref<1x128xf32, #tpu.memory_space<vmem>>, %arg12: memref<128x128xf32, #tpu.memory_space<vmem>>, %arg13: memref<1x128xf32, #tpu.memory_space<vmem>>, %arg14: memref<128x128xf32, #tpu.memory_space<vmem>>, %arg15: memref<1x128xf32, #tpu.memory_space<vmem>>, %arg16: memref<128x128xf32, #tpu.memory_space<vmem>>, %arg17: memref<1x128xf32, #tpu.memory_space<vmem>>, %arg18: memref<1000x128xf32, #tpu.memory_space<vmem>>, %arg19: memref<1000x128xf32, #tpu.memory_space<vmem>>, %arg20: memref<1000x128xf32, #tpu.memory_space<vmem>>) attributes {dimension_semantics = [#tpu.dimension_semantics<arbitrary>], iteration_bounds = array<i64: 10>, scalar_prefetch = 0 : i64, scratch_operands = 0 : i64, tpu.core_type = #tpu.core_type<tc>, window_params = [{transform_indices = @transform_0, window_bounds = array<i64: 1000, 128>}, {pipeline_mode = #tpu.pipeline_mode<synchronous>, transform_indices = @transform_1, window_bounds = array<i64: 128, 128>}, {pipeline_mode = #tpu.pipeline_mode<synchronous>, transform_indices = @transform_2, window_bounds = array<i64: 1, 128>}, {pipeline_mode = #tpu.pipeline_mode<synchronous>, transform_indices = @transform_3, window_bounds = array<i64: 128, 128>}, {pipeline_mode = #tpu.pipeline_mode<synchronous>, transform_indices = @transform_4, window_bounds = array<i64: 1, 128>}, {pipeline_mode = #tpu.pipeline_mode<synchronous>, transform_indices = @transform_5, window_bounds = array<i64: 128, 128>}, {pipeline_mode = #tpu.pipeline_mode<synchronous>, transform_indices = @transform_6, window_bounds = array<i64: 1, 128>}, {pipeline_mode = #tpu.pipeline_mode<synchronous>, transform_indices = @transform_7, window_bounds = array<i64: 128, 128>}, {pipeline_mode = #tpu.pipeline_mode<synchronous>, transform_indices = @transform_8, window_bounds = array<i64: 1, 128>}, {pipeline_mode = #tpu.pipeline_mode<synchronous>, transform_indices = @transform_9, window_bounds = array<i64: 128, 128>}, {pipeline_mode = #tpu.pipeline_mode<synchronous>, transform_indices = @transform_10, window_bounds = array<i64: 1, 128>}, {pipeline_mode = #tpu.pipeline_mode<synchronous>, transform_indices = @transform_11, window_bounds = array<i64: 128, 128>}, {pipeline_mode = #tpu.pipeline_mode<synchronous>, transform_indices = @transform_12, window_bounds = array<i64: 1, 128>}, {pipeline_mode = #tpu.pipeline_mode<synchronous>, transform_indices = @transform_13, window_bounds = array<i64: 128, 128>}, {pipeline_mode = #tpu.pipeline_mode<synchronous>, transform_indices = @transform_14, window_bounds = array<i64: 1, 128>}, {pipeline_mode = #tpu.pipeline_mode<synchronous>, transform_indices = @transform_15, window_bounds = array<i64: 128, 128>}, {pipeline_mode = #tpu.pipeline_mode<synchronous>, transform_indices = @transform_16, window_bounds = array<i64: 1, 128>}, {transform_indices = @transform_17, window_bounds = array<i64: 1000, 128>}, {transform_indices = @transform_18, window_bounds = array<i64: 1000, 128>}, {transform_indices = @transform_19, window_bounds = array<i64: 1000, 128>}]} {
    %get3A = arith.constant 0 : index
    %get3A_0 = arith.constant 0 : index
    %get3A_1 = vector.load %arg2[%get3A, %get3A_0] : memref<128x128xf32, #tpu.memory_space<vmem>>, vector<128x128xf32>
    %get3A_2 = arith.constant 0 : index
    %get3A_3 = arith.constant 0 : index
    %get3A_4 = vector.load %arg3[%get3A_2, %get3A_3] : memref<1x128xf32, #tpu.memory_space<vmem>>, vector<1x128xf32>
    %get3A_5 = arith.constant 0 : index
    %get3A_6 = arith.constant 0 : index
    %get3A_7 = vector.load %arg4[%get3A_5, %get3A_6] : memref<128x128xf32, #tpu.memory_space<vmem>>, vector<128x128xf32>
    %get3A_8 = arith.constant 0 : index
    %get3A_9 = arith.constant 0 : index
    %get3A_10 = vector.load %arg5[%get3A_8, %get3A_9] : memref<1x128xf32, #tpu.memory_space<vmem>>, vector<1x128xf32>
    %get3A_11 = arith.constant 0 : index
    %get3A_12 = arith.constant 0 : index
    %get3A_13 = vector.load %arg6[%get3A_11, %get3A_12] : memref<128x128xf32, #tpu.memory_space<vmem>>, vector<128x128xf32>
    %get3A_14 = arith.constant 0 : index
    %get3A_15 = arith.constant 0 : index
    %get3A_16 = vector.load %arg7[%get3A_14, %get3A_15] : memref<1x128xf32, #tpu.memory_space<vmem>>, vector<1x128xf32>
    %get3A_17 = arith.constant 0 : index
    %get3A_18 = arith.constant 0 : index
    %get3A_19 = vector.load %arg8[%get3A_17, %get3A_18] : memref<128x128xf32, #tpu.memory_space<vmem>>, vector<128x128xf32>
    %get3A_20 = arith.constant 0 : index
    %get3A_21 = arith.constant 0 : index
    %get3A_22 = vector.load %arg9[%get3A_20, %get3A_21] : memref<1x128xf32, #tpu.memory_space<vmem>>, vector<1x128xf32>
    %get3A_23 = arith.constant 0 : index
    %get3A_24 = arith.constant 0 : index
    %get3A_25 = vector.load %arg10[%get3A_23, %get3A_24] : memref<128x128xf32, #tpu.memory_space<vmem>>, vector<128x128xf32>
    %get3A_26 = arith.constant 0 : index
    %get3A_27 = arith.constant 0 : index
    %get3A_28 = vector.load %arg11[%get3A_26, %get3A_27] : memref<1x128xf32, #tpu.memory_space<vmem>>, vector<1x128xf32>
    %get3A_29 = arith.constant 0 : index
    %get3A_30 = arith.constant 0 : index
    %get3A_31 = vector.load %arg12[%get3A_29, %get3A_30] : memref<128x128xf32, #tpu.memory_space<vmem>>, vector<128x128xf32>
    %get3A_32 = arith.constant 0 : index
    %get3A_33 = arith.constant 0 : index
    %get3A_34 = vector.load %arg13[%get3A_32, %get3A_33] : memref<1x128xf32, #tpu.memory_space<vmem>>, vector<1x128xf32>
    %get3A_35 = arith.constant 0 : index
    %get3A_36 = arith.constant 0 : index
    %get3A_37 = vector.load %arg14[%get3A_35, %get3A_36] : memref<128x128xf32, #tpu.memory_space<vmem>>, vector<128x128xf32>
    %get3A_38 = arith.constant 0 : index
    %get3A_39 = arith.constant 0 : index
    %get3A_40 = vector.load %arg15[%get3A_38, %get3A_39] : memref<1x128xf32, #tpu.memory_space<vmem>>, vector<1x128xf32>
    %get3A_41 = arith.constant 0 : index
    %get3A_42 = arith.constant 0 : index
    %get3A_43 = vector.load %arg16[%get3A_41, %get3A_42] : memref<128x128xf32, #tpu.memory_space<vmem>>, vector<128x128xf32>
    %get3A_44 = arith.constant 0 : index
    %get3A_45 = arith.constant 0 : index
    %get3A_46 = vector.load %arg17[%get3A_44, %get3A_45] : memref<1x128xf32, #tpu.memory_space<vmem>>, vector<1x128xf32>
    %get3A_47 = arith.constant 0 : index
    %get3A_48 = arith.constant 0 : index
    %get3A_49 = vector.load %arg1[%get3A_47, %get3A_48] : memref<1000x128xf32, #tpu.memory_space<vmem>>, vector<1000x128xf32>
    %logistic3A = arith.negf %get3A_49 : vector<1000x128xf32>
    %logistic3A_50 = math.exp %logistic3A : vector<1000x128xf32>
    %logistic3A_51 = arith.constant 1.000000e+00 : f32
    %logistic3A_52 = vector.broadcast %logistic3A_51 : f32 to vector<1000x128xf32>
    %logistic3A_53 = arith.addf %logistic3A_52, %logistic3A_50 : vector<1000x128xf32>
    %logistic3A_54 = arith.divf %logistic3A_52, %logistic3A_53 : vector<1000x128xf32>
    %mul3A = arith.mulf %get3A_49, %logistic3A_54 : vector<1000x128xf32>
    %dot_general3A = arith.constant dense<0.000000e+00> : vector<1000x128xf32>
    %dot_general3A_55 = tpu.matmul %mul3A, %get3A_1, %dot_general3A {dimension_numbers = #tpu.dot_dimension_numbers<[1], [0], [0], [1], [0, 0, 1, 1], [], []>, transpose_lhs_hint = false} : vector<1000x128xf32>, vector<128x128xf32>, vector<1000x128xf32> -> vector<1000x128xf32>
    %add3A = vector.broadcast %get3A_4 : vector<1x128xf32> to vector<1000x128xf32>
    %add3A_56 = arith.addf %dot_general3A_55, %add3A : vector<1000x128xf32>
    %logistic3A_57 = arith.negf %add3A_56 : vector<1000x128xf32>
    %logistic3A_58 = math.exp %logistic3A_57 : vector<1000x128xf32>
    %logistic3A_59 = arith.constant 1.000000e+00 : f32
    %logistic3A_60 = vector.broadcast %logistic3A_59 : f32 to vector<1000x128xf32>
    %logistic3A_61 = arith.addf %logistic3A_60, %logistic3A_58 : vector<1000x128xf32>
    %logistic3A_62 = arith.divf %logistic3A_60, %logistic3A_61 : vector<1000x128xf32>
    %mul3A_63 = arith.mulf %add3A_56, %logistic3A_62 : vector<1000x128xf32>
    %dot_general3A_64 = arith.constant dense<0.000000e+00> : vector<1000x128xf32>
    %dot_general3A_65 = tpu.matmul %mul3A_63, %get3A_7, %dot_general3A_64 {dimension_numbers = #tpu.dot_dimension_numbers<[1], [0], [0], [1], [0, 0, 1, 1], [], []>, transpose_lhs_hint = false} : vector<1000x128xf32>, vector<128x128xf32>, vector<1000x128xf32> -> vector<1000x128xf32>
    %add3A_66 = vector.broadcast %get3A_10 : vector<1x128xf32> to vector<1000x128xf32>
    %add3A_67 = arith.addf %dot_general3A_65, %add3A_66 : vector<1000x128xf32>
    %add3A_68 = arith.addf %get3A_49, %add3A_67 : vector<1000x128xf32>
    %logistic3A_69 = arith.negf %add3A_68 : vector<1000x128xf32>
    %logistic3A_70 = math.exp %logistic3A_69 : vector<1000x128xf32>
    %logistic3A_71 = arith.constant 1.000000e+00 : f32
    %logistic3A_72 = vector.broadcast %logistic3A_71 : f32 to vector<1000x128xf32>
    %logistic3A_73 = arith.addf %logistic3A_72, %logistic3A_70 : vector<1000x128xf32>
    %logistic3A_74 = arith.divf %logistic3A_72, %logistic3A_73 : vector<1000x128xf32>
    %mul3A_75 = arith.mulf %add3A_68, %logistic3A_74 : vector<1000x128xf32>
    %dot_general3A_76 = arith.constant dense<0.000000e+00> : vector<1000x128xf32>
    %dot_general3A_77 = tpu.matmul %mul3A_75, %get3A_13, %dot_general3A_76 {dimension_numbers = #tpu.dot_dimension_numbers<[1], [0], [0], [1], [0, 0, 1, 1], [], []>, transpose_lhs_hint = false} : vector<1000x128xf32>, vector<128x128xf32>, vector<1000x128xf32> -> vector<1000x128xf32>
    %add3A_78 = vector.broadcast %get3A_16 : vector<1x128xf32> to vector<1000x128xf32>
    %add3A_79 = arith.addf %dot_general3A_77, %add3A_78 : vector<1000x128xf32>
    %logistic3A_80 = arith.negf %add3A_79 : vector<1000x128xf32>
    %logistic3A_81 = math.exp %logistic3A_80 : vector<1000x128xf32>
    %logistic3A_82 = arith.constant 1.000000e+00 : f32
    %logistic3A_83 = vector.broadcast %logistic3A_82 : f32 to vector<1000x128xf32>
    %logistic3A_84 = arith.addf %logistic3A_83, %logistic3A_81 : vector<1000x128xf32>
    %logistic3A_85 = arith.divf %logistic3A_83, %logistic3A_84 : vector<1000x128xf32>
    %mul3A_86 = arith.mulf %add3A_79, %logistic3A_85 : vector<1000x128xf32>
    %dot_general3A_87 = arith.constant dense<0.000000e+00> : vector<1000x128xf32>
    %dot_general3A_88 = tpu.matmul %mul3A_86, %get3A_19, %dot_general3A_87 {dimension_numbers = #tpu.dot_dimension_numbers<[1], [0], [0], [1], [0, 0, 1, 1], [], []>, transpose_lhs_hint = false} : vector<1000x128xf32>, vector<128x128xf32>, vector<1000x128xf32> -> vector<1000x128xf32>
    %add3A_89 = vector.broadcast %get3A_22 : vector<1x128xf32> to vector<1000x128xf32>
    %add3A_90 = arith.addf %dot_general3A_88, %add3A_89 : vector<1000x128xf32>
    %add3A_91 = arith.addf %add3A_68, %add3A_90 : vector<1000x128xf32>
    %logistic3A_92 = arith.negf %add3A_91 : vector<1000x128xf32>
    %logistic3A_93 = math.exp %logistic3A_92 : vector<1000x128xf32>
    %logistic3A_94 = arith.constant 1.000000e+00 : f32
    %logistic3A_95 = vector.broadcast %logistic3A_94 : f32 to vector<1000x128xf32>
    %logistic3A_96 = arith.addf %logistic3A_95, %logistic3A_93 : vector<1000x128xf32>
    %logistic3A_97 = arith.divf %logistic3A_95, %logistic3A_96 : vector<1000x128xf32>
    %mul3A_98 = arith.mulf %add3A_91, %logistic3A_97 : vector<1000x128xf32>
    %dot_general3A_99 = arith.constant dense<0.000000e+00> : vector<1000x128xf32>
    %dot_general3A_100 = tpu.matmul %mul3A_98, %get3A_37, %dot_general3A_99 {dimension_numbers = #tpu.dot_dimension_numbers<[1], [0], [0], [1], [0, 0, 1, 1], [], []>, transpose_lhs_hint = false} : vector<1000x128xf32>, vector<128x128xf32>, vector<1000x128xf32> -> vector<1000x128xf32>
    %add3A_101 = vector.broadcast %get3A_40 : vector<1x128xf32> to vector<1000x128xf32>
    %add3A_102 = arith.addf %dot_general3A_100, %add3A_101 : vector<1000x128xf32>
    %logistic3A_103 = arith.negf %add3A_68 : vector<1000x128xf32>
    %logistic3A_104 = math.exp %logistic3A_103 : vector<1000x128xf32>
    %logistic3A_105 = arith.constant 1.000000e+00 : f32
    %logistic3A_106 = vector.broadcast %logistic3A_105 : f32 to vector<1000x128xf32>
    %logistic3A_107 = arith.addf %logistic3A_106, %logistic3A_104 : vector<1000x128xf32>
    %logistic3A_108 = arith.divf %logistic3A_106, %logistic3A_107 : vector<1000x128xf32>
    %mul3A_109 = arith.mulf %add3A_68, %logistic3A_108 : vector<1000x128xf32>
    %dot_general3A_110 = arith.constant dense<0.000000e+00> : vector<1000x128xf32>
    %dot_general3A_111 = tpu.matmul %mul3A_109, %get3A_25, %dot_general3A_110 {dimension_numbers = #tpu.dot_dimension_numbers<[1], [0], [0], [1], [0, 0, 1, 1], [], []>, transpose_lhs_hint = false} : vector<1000x128xf32>, vector<128x128xf32>, vector<1000x128xf32> -> vector<1000x128xf32>
    %add3A_112 = vector.broadcast %get3A_28 : vector<1x128xf32> to vector<1000x128xf32>
    %add3A_113 = arith.addf %dot_general3A_111, %add3A_112 : vector<1000x128xf32>
    %logistic3A_114 = arith.negf %add3A_113 : vector<1000x128xf32>
    %logistic3A_115 = math.exp %logistic3A_114 : vector<1000x128xf32>
    %logistic3A_116 = arith.constant 1.000000e+00 : f32
    %logistic3A_117 = vector.broadcast %logistic3A_116 : f32 to vector<1000x128xf32>
    %logistic3A_118 = arith.addf %logistic3A_117, %logistic3A_115 : vector<1000x128xf32>
    %logistic3A_119 = arith.divf %logistic3A_117, %logistic3A_118 : vector<1000x128xf32>
    %mul3A_120 = arith.mulf %add3A_113, %logistic3A_119 : vector<1000x128xf32>
    %dot_general3A_121 = arith.constant dense<0.000000e+00> : vector<1000x128xf32>
    %dot_general3A_122 = tpu.matmul %mul3A_120, %get3A_31, %dot_general3A_121 {dimension_numbers = #tpu.dot_dimension_numbers<[1], [0], [0], [1], [0, 0, 1, 1], [], []>, transpose_lhs_hint = false} : vector<1000x128xf32>, vector<128x128xf32>, vector<1000x128xf32> -> vector<1000x128xf32>
    %add3A_123 = vector.broadcast %get3A_34 : vector<1x128xf32> to vector<1000x128xf32>
    %add3A_124 = arith.addf %dot_general3A_122, %add3A_123 : vector<1000x128xf32>
    %add3A_125 = arith.addf %add3A_68, %add3A_124 : vector<1000x128xf32>
    %logistic3A_126 = arith.negf %add3A_125 : vector<1000x128xf32>
    %logistic3A_127 = math.exp %logistic3A_126 : vector<1000x128xf32>
    %logistic3A_128 = arith.constant 1.000000e+00 : f32
    %logistic3A_129 = vector.broadcast %logistic3A_128 : f32 to vector<1000x128xf32>
    %logistic3A_130 = arith.addf %logistic3A_129, %logistic3A_127 : vector<1000x128xf32>
    %logistic3A_131 = arith.divf %logistic3A_129, %logistic3A_130 : vector<1000x128xf32>
    %mul3A_132 = arith.mulf %add3A_125, %logistic3A_131 : vector<1000x128xf32>
    %dot_general3A_133 = arith.constant dense<0.000000e+00> : vector<1000x128xf32>
    %dot_general3A_134 = tpu.matmul %mul3A_132, %get3A_43, %dot_general3A_133 {dimension_numbers = #tpu.dot_dimension_numbers<[1], [0], [0], [1], [0, 0, 1, 1], [], []>, transpose_lhs_hint = false} : vector<1000x128xf32>, vector<128x128xf32>, vector<1000x128xf32> -> vector<1000x128xf32>
    %add3A_135 = vector.broadcast %get3A_46 : vector<1x128xf32> to vector<1000x128xf32>
    %add3A_136 = arith.addf %dot_general3A_134, %add3A_135 : vector<1000x128xf32>
    %swap3A = arith.constant 0 : index
    %swap3A_137 = arith.constant 0 : index
    %swap3A_138 = vector.load %arg18[%swap3A, %swap3A_137] : memref<1000x128xf32, #tpu.memory_space<vmem>>, vector<1000x128xf32>
    tpu.vector_store %arg18[%swap3A, %swap3A_137], %add3A_68 {strides = array<i32>} : memref<1000x128xf32, #tpu.memory_space<vmem>>, vector<1000x128xf32>,
    %swap3A_139 = arith.constant 0 : index
    %swap3A_140 = arith.constant 0 : index
    %swap3A_141 = vector.load %arg19[%swap3A_139, %swap3A_140] : memref<1000x128xf32, #tpu.memory_space<vmem>>, vector<1000x128xf32>
    tpu.vector_store %arg19[%swap3A_139, %swap3A_140], %add3A_102 {strides = array<i32>} : memref<1000x128xf32, #tpu.memory_space<vmem>>, vector<1000x128xf32>,
    %swap3A_142 = arith.constant 0 : index
    %swap3A_143 = arith.constant 0 : index
    %swap3A_144 = vector.load %arg20[%swap3A_142, %swap3A_143] : memref<1000x128xf32, #tpu.memory_space<vmem>>, vector<1000x128xf32>
    tpu.vector_store %arg20[%swap3A_142, %swap3A_143], %add3A_136 {strides = array<i32>} : memref<1000x128xf32, #tpu.memory_space<vmem>>, vector<1000x128xf32>,
    return
  }
  func.func @transform_0(%arg0: i32) -> (i32, i32) {
    %c0_i32 = arith.constant 0 : i32
    %c0_i32_0 = arith.constant 0 : i32
    return %arg0, %c0_i32 : i32, i32
  }
  func.func @transform_1(%arg0: i32) -> (i32, i32) {
    %c0_i32 = arith.constant 0 : i32
    %c0_i32_0 = arith.constant 0 : i32
    %c0_i32_1 = arith.constant 0 : i32
    return %c0_i32, %c0_i32_0 : i32, i32
  }
  func.func @transform_2(%arg0: i32) -> (i32, i32) {
    %c0_i32 = arith.constant 0 : i32
    %c0_i32_0 = arith.constant 0 : i32
    %c0_i32_1 = arith.constant 0 : i32
    return %c0_i32, %c0_i32_0 : i32, i32
  }
  func.func @transform_3(%arg0: i32) -> (i32, i32) {
    %c0_i32 = arith.constant 0 : i32
    %c0_i32_0 = arith.constant 0 : i32
    %c0_i32_1 = arith.constant 0 : i32
    return %c0_i32, %c0_i32_0 : i32, i32
  }
  func.func @transform_4(%arg0: i32) -> (i32, i32) {
    %c0_i32 = arith.constant 0 : i32
    %c0_i32_0 = arith.constant 0 : i32
    %c0_i32_1 = arith.constant 0 : i32
    return %c0_i32, %c0_i32_0 : i32, i32
  }
  func.func @transform_5(%arg0: i32) -> (i32, i32) {
    %c0_i32 = arith.constant 0 : i32
    %c0_i32_0 = arith.constant 0 : i32
    %c0_i32_1 = arith.constant 0 : i32
    return %c0_i32, %c0_i32_0 : i32, i32
  }
  func.func @transform_6(%arg0: i32) -> (i32, i32) {
    %c0_i32 = arith.constant 0 : i32
    %c0_i32_0 = arith.constant 0 : i32
    %c0_i32_1 = arith.constant 0 : i32
    return %c0_i32, %c0_i32_0 : i32, i32
  }
  func.func @transform_7(%arg0: i32) -> (i32, i32) {
    %c0_i32 = arith.constant 0 : i32
    %c0_i32_0 = arith.constant 0 : i32
    %c0_i32_1 = arith.constant 0 : i32
    return %c0_i32, %c0_i32_0 : i32, i32
  }
  func.func @transform_8(%arg0: i32) -> (i32, i32) {
    %c0_i32 = arith.constant 0 : i32
    %c0_i32_0 = arith.constant 0 : i32
    %c0_i32_1 = arith.constant 0 : i32
    return %c0_i32, %c0_i32_0 : i32, i32
  }
  func.func @transform_9(%arg0: i32) -> (i32, i32) {
    %c0_i32 = arith.constant 0 : i32
    %c0_i32_0 = arith.constant 0 : i32
    %c0_i32_1 = arith.constant 0 : i32
    return %c0_i32, %c0_i32_0 : i32, i32
  }
  func.func @transform_10(%arg0: i32) -> (i32, i32) {
    %c0_i32 = arith.constant 0 : i32
    %c0_i32_0 = arith.constant 0 : i32
    %c0_i32_1 = arith.constant 0 : i32
    return %c0_i32, %c0_i32_0 : i32, i32
  }
  func.func @transform_11(%arg0: i32) -> (i32, i32) {
    %c0_i32 = arith.constant 0 : i32
    %c0_i32_0 = arith.constant 0 : i32
    %c0_i32_1 = arith.constant 0 : i32
    return %c0_i32, %c0_i32_0 : i32, i32
  }
  func.func @transform_12(%arg0: i32) -> (i32, i32) {
    %c0_i32 = arith.constant 0 : i32
    %c0_i32_0 = arith.constant 0 : i32
    %c0_i32_1 = arith.constant 0 : i32
    return %c0_i32, %c0_i32_0 : i32, i32
  }
  func.func @transform_13(%arg0: i32) -> (i32, i32) {
    %c0_i32 = arith.constant 0 : i32
    %c0_i32_0 = arith.constant 0 : i32
    %c0_i32_1 = arith.constant 0 : i32
    return %c0_i32, %c0_i32_0 : i32, i32
  }
  func.func @transform_14(%arg0: i32) -> (i32, i32) {
    %c0_i32 = arith.constant 0 : i32
    %c0_i32_0 = arith.constant 0 : i32
    %c0_i32_1 = arith.constant 0 : i32
    return %c0_i32, %c0_i32_0 : i32, i32
  }
  func.func @transform_15(%arg0: i32) -> (i32, i32) {
    %c0_i32 = arith.constant 0 : i32
    %c0_i32_0 = arith.constant 0 : i32
    %c0_i32_1 = arith.constant 0 : i32
    return %c0_i32, %c0_i32_0 : i32, i32
  }
  func.func @transform_16(%arg0: i32) -> (i32, i32) {
    %c0_i32 = arith.constant 0 : i32
    %c0_i32_0 = arith.constant 0 : i32
    %c0_i32_1 = arith.constant 0 : i32
    return %c0_i32, %c0_i32_0 : i32, i32
  }
  func.func @transform_17(%arg0: i32) -> (i32, i32) {
    %c0_i32 = arith.constant 0 : i32
    %c0_i32_0 = arith.constant 0 : i32
    return %arg0, %c0_i32 : i32, i32
  }
  func.func @transform_18(%arg0: i32) -> (i32, i32) {
    %c0_i32 = arith.constant 0 : i32
    %c0_i32_0 = arith.constant 0 : i32
    return %arg0, %c0_i32 : i32, i32
  }
  func.func @transform_19(%arg0: i32) -> (i32, i32) {
    %c0_i32 = arith.constant 0 : i32
    %c0_i32_0 = arith.constant 0 : i32
    return %arg0, %c0_i32 : i32, i32
  }
}

module attributes {stable_mosaic.version = 14 : i64} {
  func.func @body(%arg0: i32, %arg1: memref<12800x128xf32, #tpu.memory_space<vmem>>, %arg2: memref<12800x64xf32, #tpu.memory_space<vmem>>, %arg3: memref<400x128xf32, #tpu.memory_space<vmem>>, %arg4: memref<400x128xf32, #tpu.memory_space<vmem>>, %arg5: memref<64x128xf32, #tpu.memory_space<vmem>>, %arg6: memref<128x128xf32, #tpu.memory_space<vmem>>, %arg7: memref<1x128xf32, #tpu.memory_space<vmem>>, %arg8: memref<128x128xf32, #tpu.memory_space<vmem>>, %arg9: memref<1x128xf32, #tpu.memory_space<vmem>>, %arg10: memref<128x128xf32, #tpu.memory_space<vmem>>, %arg11: memref<1x128xf32, #tpu.memory_space<vmem>>, %arg12: memref<128x128xf32, #tpu.memory_space<vmem>>, %arg13: memref<1x128xf32, #tpu.memory_space<vmem>>, %arg14: memref<128x128xf32, #tpu.memory_space<vmem>>, %arg15: memref<1x128xf32, #tpu.memory_space<vmem>>, %arg16: memref<400x128xf32, #tpu.memory_space<vmem>>) attributes {dimension_semantics = [#tpu.dimension_semantics<arbitrary>], iteration_bounds = array<i64: 25>, scalar_prefetch = 0 : i64, scratch_operands = 0 : i64, tpu.core_type = #tpu.core_type<tc>, window_params = [{transform_indices = @transform_0, window_bounds = array<i64: 12800, 128>}, {transform_indices = @transform_1, window_bounds = array<i64: 12800, 64>}, {transform_indices = @transform_2, window_bounds = array<i64: 400, 128>}, {transform_indices = @transform_3, window_bounds = array<i64: 400, 128>}, {pipeline_mode = #tpu.pipeline_mode<synchronous>, transform_indices = @transform_4, window_bounds = array<i64: 64, 128>}, {pipeline_mode = #tpu.pipeline_mode<synchronous>, transform_indices = @transform_5, window_bounds = array<i64: 128, 128>}, {pipeline_mode = #tpu.pipeline_mode<synchronous>, transform_indices = @transform_6, window_bounds = array<i64: 1, 128>}, {pipeline_mode = #tpu.pipeline_mode<synchronous>, transform_indices = @transform_7, window_bounds = array<i64: 128, 128>}, {pipeline_mode = #tpu.pipeline_mode<synchronous>, transform_indices = @transform_8, window_bounds = array<i64: 1, 128>}, {pipeline_mode = #tpu.pipeline_mode<synchronous>, transform_indices = @transform_9, window_bounds = array<i64: 128, 128>}, {pipeline_mode = #tpu.pipeline_mode<synchronous>, transform_indices = @transform_10, window_bounds = array<i64: 1, 128>}, {pipeline_mode = #tpu.pipeline_mode<synchronous>, transform_indices = @transform_11, window_bounds = array<i64: 128, 128>}, {pipeline_mode = #tpu.pipeline_mode<synchronous>, transform_indices = @transform_12, window_bounds = array<i64: 1, 128>}, {pipeline_mode = #tpu.pipeline_mode<synchronous>, transform_indices = @transform_13, window_bounds = array<i64: 128, 128>}, {pipeline_mode = #tpu.pipeline_mode<synchronous>, transform_indices = @transform_14, window_bounds = array<i64: 1, 128>}, {transform_indices = @transform_15, window_bounds = array<i64: 400, 128>}]} {
    %get3A = arith.constant 0 : index
    %get3A_0 = arith.constant 0 : index
    %get3A_1 = vector.load %arg5[%get3A, %get3A_0] : memref<64x128xf32, #tpu.memory_space<vmem>>, vector<64x128xf32>
    %get3A_2 = arith.constant 0 : index
    %get3A_3 = arith.constant 0 : index
    %get3A_4 = vector.load %arg6[%get3A_2, %get3A_3] : memref<128x128xf32, #tpu.memory_space<vmem>>, vector<128x128xf32>
    %get3A_5 = arith.constant 0 : index
    %get3A_6 = arith.constant 0 : index
    %get3A_7 = vector.load %arg7[%get3A_5, %get3A_6] : memref<1x128xf32, #tpu.memory_space<vmem>>, vector<1x128xf32>
    %get3A_8 = arith.constant 0 : index
    %get3A_9 = arith.constant 0 : index
    %get3A_10 = vector.load %arg8[%get3A_8, %get3A_9] : memref<128x128xf32, #tpu.memory_space<vmem>>, vector<128x128xf32>
    %get3A_11 = arith.constant 0 : index
    %get3A_12 = arith.constant 0 : index
    %get3A_13 = vector.load %arg9[%get3A_11, %get3A_12] : memref<1x128xf32, #tpu.memory_space<vmem>>, vector<1x128xf32>
    %get3A_14 = arith.constant 0 : index
    %get3A_15 = arith.constant 0 : index
    %get3A_16 = vector.load %arg10[%get3A_14, %get3A_15] : memref<128x128xf32, #tpu.memory_space<vmem>>, vector<128x128xf32>
    %get3A_17 = arith.constant 0 : index
    %get3A_18 = arith.constant 0 : index
    %get3A_19 = vector.load %arg11[%get3A_17, %get3A_18] : memref<1x128xf32, #tpu.memory_space<vmem>>, vector<1x128xf32>
    %get3A_20 = arith.constant 0 : index
    %get3A_21 = arith.constant 0 : index
    %get3A_22 = vector.load %arg12[%get3A_20, %get3A_21] : memref<128x128xf32, #tpu.memory_space<vmem>>, vector<128x128xf32>
    %get3A_23 = arith.constant 0 : index
    %get3A_24 = arith.constant 0 : index
    %get3A_25 = vector.load %arg13[%get3A_23, %get3A_24] : memref<1x128xf32, #tpu.memory_space<vmem>>, vector<1x128xf32>
    %get3A_26 = arith.constant 0 : index
    %get3A_27 = arith.constant 0 : index
    %get3A_28 = vector.load %arg14[%get3A_26, %get3A_27] : memref<128x128xf32, #tpu.memory_space<vmem>>, vector<128x128xf32>
    %get3A_29 = arith.constant 0 : index
    %get3A_30 = arith.constant 0 : index
    %get3A_31 = vector.load %arg15[%get3A_29, %get3A_30] : memref<1x128xf32, #tpu.memory_space<vmem>>, vector<1x128xf32>
    %get3A_32 = arith.constant 0 : index
    %get3A_33 = arith.constant 0 : index
    %get3A_34 = vector.load %arg2[%get3A_32, %get3A_33] : memref<12800x64xf32, #tpu.memory_space<vmem>>, vector<12800x64xf32>
    %dot_general3A = arith.constant dense<0.000000e+00> : vector<12800x128xf32>
    %dot_general3A_35 = tpu.matmul %get3A_34, %get3A_1, %dot_general3A {dimension_numbers = #tpu.dot_dimension_numbers<[1], [0], [0], [1], [0, 0, 1, 1], [], []>, transpose_lhs_hint = false} : vector<12800x64xf32>, vector<64x128xf32>, vector<12800x128xf32> -> vector<12800x128xf32>
    %get3A_36 = arith.constant 0 : index
    %get3A_37 = arith.constant 0 : index
    %get3A_38 = vector.load %arg1[%get3A_36, %get3A_37] : memref<12800x128xf32, #tpu.memory_space<vmem>>, vector<12800x128xf32>
    %mul3A = arith.mulf %dot_general3A_35, %get3A_38 : vector<12800x128xf32>
    %reshape3A = vector.shape_cast %mul3A : vector<12800x128xf32> to vector<400x32x128xf32>
    %reduce_sum3A = arith.constant dense<0.000000e+00> : vector<400x128xf32>
    %reduce_sum3A_39 = vector.multi_reduction <add>, %reshape3A, %reduce_sum3A [1] : vector<400x32x128xf32> to vector<400x128xf32>
    %get3A_40 = arith.constant 0 : index
    %get3A_41 = arith.constant 0 : index
    %get3A_42 = vector.load %arg3[%get3A_40, %get3A_41] : memref<400x128xf32, #tpu.memory_space<vmem>>, vector<400x128xf32>
    %add3A = arith.addf %get3A_42, %reduce_sum3A_39 : vector<400x128xf32>
    %logistic3A = arith.negf %add3A : vector<400x128xf32>
    %logistic3A_43 = math.exp %logistic3A : vector<400x128xf32>
    %logistic3A_44 = arith.constant 1.000000e+00 : f32
    %logistic3A_45 = vector.broadcast %logistic3A_44 : f32 to vector<400x128xf32>
    %logistic3A_46 = arith.addf %logistic3A_45, %logistic3A_43 : vector<400x128xf32>
    %logistic3A_47 = arith.divf %logistic3A_45, %logistic3A_46 : vector<400x128xf32>
    %mul3A_48 = arith.mulf %add3A, %logistic3A_47 : vector<400x128xf32>
    %dot_general3A_49 = arith.constant dense<0.000000e+00> : vector<400x128xf32>
    %dot_general3A_50 = tpu.matmul %mul3A_48, %get3A_4, %dot_general3A_49 {dimension_numbers = #tpu.dot_dimension_numbers<[1], [0], [0], [1], [0, 0, 1, 1], [], []>, transpose_lhs_hint = false} : vector<400x128xf32>, vector<128x128xf32>, vector<400x128xf32> -> vector<400x128xf32>
    %add3A_51 = vector.broadcast %get3A_7 : vector<1x128xf32> to vector<400x128xf32>
    %add3A_52 = arith.addf %dot_general3A_50, %add3A_51 : vector<400x128xf32>
    %logistic3A_53 = arith.negf %add3A_52 : vector<400x128xf32>
    %logistic3A_54 = math.exp %logistic3A_53 : vector<400x128xf32>
    %logistic3A_55 = arith.constant 1.000000e+00 : f32
    %logistic3A_56 = vector.broadcast %logistic3A_55 : f32 to vector<400x128xf32>
    %logistic3A_57 = arith.addf %logistic3A_56, %logistic3A_54 : vector<400x128xf32>
    %logistic3A_58 = arith.divf %logistic3A_56, %logistic3A_57 : vector<400x128xf32>
    %mul3A_59 = arith.mulf %add3A_52, %logistic3A_58 : vector<400x128xf32>
    %dot_general3A_60 = arith.constant dense<0.000000e+00> : vector<400x128xf32>
    %dot_general3A_61 = tpu.matmul %mul3A_59, %get3A_10, %dot_general3A_60 {dimension_numbers = #tpu.dot_dimension_numbers<[1], [0], [0], [1], [0, 0, 1, 1], [], []>, transpose_lhs_hint = false} : vector<400x128xf32>, vector<128x128xf32>, vector<400x128xf32> -> vector<400x128xf32>
    %add3A_62 = vector.broadcast %get3A_13 : vector<1x128xf32> to vector<400x128xf32>
    %add3A_63 = arith.addf %dot_general3A_61, %add3A_62 : vector<400x128xf32>
    %add3A_64 = arith.addf %add3A, %add3A_63 : vector<400x128xf32>
    %logistic3A_65 = arith.negf %add3A_64 : vector<400x128xf32>
    %logistic3A_66 = math.exp %logistic3A_65 : vector<400x128xf32>
    %logistic3A_67 = arith.constant 1.000000e+00 : f32
    %logistic3A_68 = vector.broadcast %logistic3A_67 : f32 to vector<400x128xf32>
    %logistic3A_69 = arith.addf %logistic3A_68, %logistic3A_66 : vector<400x128xf32>
    %logistic3A_70 = arith.divf %logistic3A_68, %logistic3A_69 : vector<400x128xf32>
    %mul3A_71 = arith.mulf %add3A_64, %logistic3A_70 : vector<400x128xf32>
    %dot_general3A_72 = arith.constant dense<0.000000e+00> : vector<400x128xf32>
    %dot_general3A_73 = tpu.matmul %mul3A_71, %get3A_16, %dot_general3A_72 {dimension_numbers = #tpu.dot_dimension_numbers<[1], [0], [0], [1], [0, 0, 1, 1], [], []>, transpose_lhs_hint = false} : vector<400x128xf32>, vector<128x128xf32>, vector<400x128xf32> -> vector<400x128xf32>
    %add3A_74 = vector.broadcast %get3A_19 : vector<1x128xf32> to vector<400x128xf32>
    %add3A_75 = arith.addf %dot_general3A_73, %add3A_74 : vector<400x128xf32>
    %get3A_76 = arith.constant 0 : index
    %get3A_77 = arith.constant 0 : index
    %get3A_78 = vector.load %arg4[%get3A_76, %get3A_77] : memref<400x128xf32, #tpu.memory_space<vmem>>, vector<400x128xf32>
    %add3A_79 = arith.addf %get3A_78, %add3A_75 : vector<400x128xf32>
    %logistic3A_80 = arith.negf %add3A_79 : vector<400x128xf32>
    %logistic3A_81 = math.exp %logistic3A_80 : vector<400x128xf32>
    %logistic3A_82 = arith.constant 1.000000e+00 : f32
    %logistic3A_83 = vector.broadcast %logistic3A_82 : f32 to vector<400x128xf32>
    %logistic3A_84 = arith.addf %logistic3A_83, %logistic3A_81 : vector<400x128xf32>
    %logistic3A_85 = arith.divf %logistic3A_83, %logistic3A_84 : vector<400x128xf32>
    %mul3A_86 = arith.mulf %add3A_79, %logistic3A_85 : vector<400x128xf32>
    %dot_general3A_87 = arith.constant dense<0.000000e+00> : vector<400x128xf32>
    %dot_general3A_88 = tpu.matmul %mul3A_86, %get3A_22, %dot_general3A_87 {dimension_numbers = #tpu.dot_dimension_numbers<[1], [0], [0], [1], [0, 0, 1, 1], [], []>, transpose_lhs_hint = false} : vector<400x128xf32>, vector<128x128xf32>, vector<400x128xf32> -> vector<400x128xf32>
    %add3A_89 = vector.broadcast %get3A_25 : vector<1x128xf32> to vector<400x128xf32>
    %add3A_90 = arith.addf %dot_general3A_88, %add3A_89 : vector<400x128xf32>
    %logistic3A_91 = arith.negf %add3A_90 : vector<400x128xf32>
    %logistic3A_92 = math.exp %logistic3A_91 : vector<400x128xf32>
    %logistic3A_93 = arith.constant 1.000000e+00 : f32
    %logistic3A_94 = vector.broadcast %logistic3A_93 : f32 to vector<400x128xf32>
    %logistic3A_95 = arith.addf %logistic3A_94, %logistic3A_92 : vector<400x128xf32>
    %logistic3A_96 = arith.divf %logistic3A_94, %logistic3A_95 : vector<400x128xf32>
    %mul3A_97 = arith.mulf %add3A_90, %logistic3A_96 : vector<400x128xf32>
    %dot_general3A_98 = arith.constant dense<0.000000e+00> : vector<400x128xf32>
    %dot_general3A_99 = tpu.matmul %mul3A_97, %get3A_28, %dot_general3A_98 {dimension_numbers = #tpu.dot_dimension_numbers<[1], [0], [0], [1], [0, 0, 1, 1], [], []>, transpose_lhs_hint = false} : vector<400x128xf32>, vector<128x128xf32>, vector<400x128xf32> -> vector<400x128xf32>
    %add3A_100 = vector.broadcast %get3A_31 : vector<1x128xf32> to vector<400x128xf32>
    %add3A_101 = arith.addf %dot_general3A_99, %add3A_100 : vector<400x128xf32>
    %add3A_102 = arith.addf %add3A_79, %add3A_101 : vector<400x128xf32>
    %swap3A = arith.constant 0 : index
    %swap3A_103 = arith.constant 0 : index
    %swap3A_104 = vector.load %arg16[%swap3A, %swap3A_103] : memref<400x128xf32, #tpu.memory_space<vmem>>, vector<400x128xf32>
    tpu.vector_store %arg16[%swap3A, %swap3A_103], %add3A_102 {strides = array<i32>} : memref<400x128xf32, #tpu.memory_space<vmem>>, vector<400x128xf32>,
    return
  }
  func.func @transform_0(%arg0: i32) -> (i32, i32) {
    %c0_i32 = arith.constant 0 : i32
    %c0_i32_0 = arith.constant 0 : i32
    return %arg0, %c0_i32 : i32, i32
  }
  func.func @transform_1(%arg0: i32) -> (i32, i32) {
    %c0_i32 = arith.constant 0 : i32
    %c0_i32_0 = arith.constant 0 : i32
    return %arg0, %c0_i32 : i32, i32
  }
  func.func @transform_2(%arg0: i32) -> (i32, i32) {
    %c0_i32 = arith.constant 0 : i32
    %c0_i32_0 = arith.constant 0 : i32
    return %arg0, %c0_i32 : i32, i32
  }
  func.func @transform_3(%arg0: i32) -> (i32, i32) {
    %c0_i32 = arith.constant 0 : i32
    %c0_i32_0 = arith.constant 0 : i32
    return %arg0, %c0_i32 : i32, i32
  }
  func.func @transform_4(%arg0: i32) -> (i32, i32) {
    %c0_i32 = arith.constant 0 : i32
    %c0_i32_0 = arith.constant 0 : i32
    %c0_i32_1 = arith.constant 0 : i32
    return %c0_i32, %c0_i32_0 : i32, i32
  }
  func.func @transform_5(%arg0: i32) -> (i32, i32) {
    %c0_i32 = arith.constant 0 : i32
    %c0_i32_0 = arith.constant 0 : i32
    %c0_i32_1 = arith.constant 0 : i32
    return %c0_i32, %c0_i32_0 : i32, i32
  }
  func.func @transform_6(%arg0: i32) -> (i32, i32) {
    %c0_i32 = arith.constant 0 : i32
    %c0_i32_0 = arith.constant 0 : i32
    %c0_i32_1 = arith.constant 0 : i32
    return %c0_i32, %c0_i32_0 : i32, i32
  }
  func.func @transform_7(%arg0: i32) -> (i32, i32) {
    %c0_i32 = arith.constant 0 : i32
    %c0_i32_0 = arith.constant 0 : i32
    %c0_i32_1 = arith.constant 0 : i32
    return %c0_i32, %c0_i32_0 : i32, i32
  }
  func.func @transform_8(%arg0: i32) -> (i32, i32) {
    %c0_i32 = arith.constant 0 : i32
    %c0_i32_0 = arith.constant 0 : i32
    %c0_i32_1 = arith.constant 0 : i32
    return %c0_i32, %c0_i32_0 : i32, i32
  }
  func.func @transform_9(%arg0: i32) -> (i32, i32) {
    %c0_i32 = arith.constant 0 : i32
    %c0_i32_0 = arith.constant 0 : i32
    %c0_i32_1 = arith.constant 0 : i32
    return %c0_i32, %c0_i32_0 : i32, i32
  }
  func.func @transform_10(%arg0: i32) -> (i32, i32) {
    %c0_i32 = arith.constant 0 : i32
    %c0_i32_0 = arith.constant 0 : i32
    %c0_i32_1 = arith.constant 0 : i32
    return %c0_i32, %c0_i32_0 : i32, i32
  }
  func.func @transform_11(%arg0: i32) -> (i32, i32) {
    %c0_i32 = arith.constant 0 : i32
    %c0_i32_0 = arith.constant 0 : i32
    %c0_i32_1 = arith.constant 0 : i32
    return %c0_i32, %c0_i32_0 : i32, i32
  }
  func.func @transform_12(%arg0: i32) -> (i32, i32) {
    %c0_i32 = arith.constant 0 : i32
    %c0_i32_0 = arith.constant 0 : i32
    %c0_i32_1 = arith.constant 0 : i32
    return %c0_i32, %c0_i32_0 : i32, i32
  }
  func.func @transform_13(%arg0: i32) -> (i32, i32) {
    %c0_i32 = arith.constant 0 : i32
    %c0_i32_0 = arith.constant 0 : i32
    %c0_i32_1 = arith.constant 0 : i32
    return %c0_i32, %c0_i32_0 : i32, i32
  }
  func.func @transform_14(%arg0: i32) -> (i32, i32) {
    %c0_i32 = arith.constant 0 : i32
    %c0_i32_0 = arith.constant 0 : i32
    %c0_i32_1 = arith.constant 0 : i32
    return %c0_i32, %c0_i32_0 : i32, i32
  }
  func.func @transform_15(%arg0: i32) -> (i32, i32) {
    %c0_i32 = arith.constant 0 : i32
    %c0_i32_0 = arith.constant 0 : i32
    return %arg0, %c0_i32 : i32, i32
  }
}

</mosaic_0001>

<sc_bundles>
// kernel: kernel.5.cloned.1.call-start
scs
__scs_entry_jumppad:
0x0: {  	(pc) =	sbr.rel $0x88, $3  }
0x1: {  	(tag) =	ssettag $0x0;
	lr =	simm.s32 $0x1  }
0x2: {  	[smem:$0x3F83] =	sst lr;
	_ =	strace $0xD0000000  }
0x3: {  	_ = 	snop  }
0x4: {  	_ = 	snop  }
0x5: {  	_ = 	snop  }
0x6: {  	_ = 	snop  }
0x7: {  	_ = 	snop  }
__scs_overlays_trampoline_lowered:
0x8: {  	[smem:$0x3F92] =	sst s0  }
0x9: {  	[smem:$0x3F93] =	sst s1  }
0xa: {  	[smem:$0x3F94] =	sst s2  }
0xb: {  	[smem:$0x3F95] =	sst s3  }
0xc: {  	[smem:$0x3F96] =	sst s4  }
0xd: {  	[smem:$0x3F97] =	sst s5  }
0xe: {  	[smem:$0x3F98] =	sst s6  }
0xf: {  	[smem:$0x3F99] =	sst s7  }
0x10: {  	[smem:$0x3F9A] =	sst s8  }
0x11: {  	[smem:$0x3F9B] =	sst s9;
	s0 =	simm.s32 @!p0 $0x0  }
0x12: {  	s1 =	sld [smem:$0x3F81];
	s0 =	simm.s32 @p0 $0x1  }
0x13: {  	[smem:$0x3F9C] =	sst s0;
	s0 =	simm.s32 @!p1 $0x0  }
0x14: {  	s2 =	sld [smem:$0x3F80];
	s0 =	simm.s32 @p1 $0x1  }
0x15: {  	[smem:$0x3F9D] =	sst s0;
	s0 =	simm.s32 @!p2 $0x0  }
0x16: {  	s3 =	sld [smem:$0x3FDB];
	s0 =	simm.s32 @p2 $0x1  }
0x17: {  	s4 =	simm.s32 $0x1BF5;
	[smem:$0x3F9F] =	sst s0  }
0x18: {  	s0 =	sld [smem:$0x3F82];
	_ =	swait.ge [sflag:s4], $0x0  }
0x19: {  	s7 =	sld [smem:$0x3F83]  }
0x1a: {  	s8 =	sadd.s32 $0xFFFFE003, lr  }
0x1b: {  	s9 =	sadd.s32 $0xFFFFFEF7, lr;
	s5 =	simm.s32 $0xFFFFFFFF;
	p2 =	slt.u32 s8, $0xFFFFF086  }
0x1c: {  	p1 =	slt.u32 s9, $0xF7A;
	s5 =	simm.s32 @!p2 $0x0  }
0x1d: {  	s5 =	simm.s32 @p1 $0x1;
	p0 =	seq.s32 s7, s2  }
0x1e: {  	s7 =	smul.u32 @!p0 $0xF7A, s2;
	p2 =	seq.s32 @!p0 s5, $0x0  }
0x1f: {  	s9 =	smul.u32 $0xF7A, s1;
	s8 =	simm.s32 @!p0 $0x1BF5;
	p2 =	por !p2, p0  }
0x20: {  	[sflag:s8] =	ssyncset.s32 @!p0 $0xFFFFF086;
	s6 =	sadd.s32 @!p0 s3, s7;
	s7 =	simm.s32 @!p0 $0x108  }
0x21: {  	s3 =	sadd.s32 s3, s9;
	s6 =	sadd.s32 @!p0 $0x88, s6;
	s7 =	simm.s32 @p2 $0x1082  }
0x22: {  	[simem:s7], [sflag:s8] =	dma.local @!p0 [hbm:s6], $0xF7A  }
0x23: {  	s9 =	sor.u32 $0xD0000000, s2;
	s6 =	simm.s32 $0x108;
	_ =	swait.ge @!p0 [sflag:s8], $0x0  }
0x24: {  	s3 =	sadd.s32 $0x88, s3;
	s6 =	simm.s32 @!p1 $0x1082;
	[sflag:s4] =	ssyncset.s32 $0xFFFFF086  }
0x25: {  	[simem:s6], [sflag:s4] =	dma.local [hbm:s3], $0xF7A  }
0x26: {  	[smem:$0x3F83] =	sst s1;
	(tag) =	ssettag s2;
	_ =	strace s9  }
0x27: {  	s1 =	sld [smem:$0x3F93]  }
0x28: {  	s2 =	sld [smem:$0x3F94]  }
0x29: {  	s4 =	sld [smem:$0x3F96]  }
0x2a: {  	p0 =	seq.s32 s5, $0x0;
	s5 =	sld [smem:$0x3F97]  }
0x2b: {  	s6 =	sld [smem:$0x3F98]  }
0x2c: {  	s7 =	sld [smem:$0x3F99]  }
0x2d: {  	s3 =	simm.s32 $0x108;
	s8 =	sld [smem:$0x3F9A]  }
0x2e: {  	s3 =	simm.s32 @!p0 $0x1082;
	s9 =	sld [smem:$0x3F9B]  }
0x2f: {  	lr =	sadd.s32 s0, s3;
	s0 =	sld [smem:$0x3F92]  }
0x30: {  	s3 =	sld [smem:$0x3F95]  }
0x31: {  	[smem:$0x3F9E] =	sst s10  }
0x32: {  	s10 =	sld [smem:$0x3F9C];
	_ =	sdelay $0x3  }
0x33: {  	p0 =	seq.s32 s10, $0x1;
	s10 =	sld [smem:$0x3F9E];
	_ =	sdelay $0x3  }
0x34: {  	[smem:$0x3F9E] =	sst s10  }
0x35: {  	s10 =	sld [smem:$0x3F9D];
	_ =	sdelay $0x3  }
0x36: {  	p1 =	seq.s32 s10, $0x1;
	s10 =	sld [smem:$0x3F9E];
	_ =	sdelay $0x3  }
0x37: {  	[smem:$0x3F9E] =	sst s10  }
0x38: {  	s10 =	sld [smem:$0x3F9F]  }
0x39: {  	_ = 	snop;
	(pc) =	sbr.ind lr, $3  }
0x3a: {  	_ = 	snop  }
0x3b: {  	_ = 	snop  }
0x3c: {  	p2 =	seq.s32 s10, $0x1;
	s10 =	sld [smem:$0x3F9E]  }
0x3d: {  	_ =	shalt  }
0x3e: {  	_ =	shalt  }
0x3f: {  	_ =	shalt  }
0x40: {  	_ =	shalt  }
0x41: {  	_ =	shalt  }
0x42: {  	_ =	shalt  }
0x43: {  	_ =	shalt  }
0x44: {  	_ =	shalt  }
0x45: {  	_ =	shalt  }
0x46: {  	_ =	shalt  }
0x47: {  	_ =	shalt  }
0x48: {  	_ =	shalt  }
0x49: {  	_ =	shalt  }
0x4a: {  	_ =	shalt  }
0x4b: {  	_ =	shalt  }
0x4c: {  	_ =	shalt  }
0x4d: {  	_ =	shalt  }
0x4e: {  	_ =	shalt  }
0x4f: {  	_ =	shalt  }
0x50: {  	_ =	shalt  }
0x51: {  	_ =	shalt  }
0x52: {  	_ =	shalt  }
0x53: {  	_ =	shalt  }
0x54: {  	_ =	shalt  }
0x55: {  	_ =	shalt  }
0x56: {  	_ =	shalt  }
0x57: {  	_ =	shalt  }
0x58: {  	_ =	shalt  }
0x59: {  	_ =	shalt  }
0x5a: {  	_ =	shalt  }
0x5b: {  	_ =	shalt  }
0x5c: {  	_ =	shalt  }
0x5d: {  	_ =	shalt  }
0x5e: {  	_ =	shalt  }
0x5f: {  	_ =	shalt  }
0x60: {  	_ =	shalt  }
0x61: {  	_ =	shalt  }
0x62: {  	_ =	shalt  }
0x63: {  	_ =	shalt  }
0x64: {  	_ =	shalt  }
0x65: {  	_ =	shalt  }
0x66: {  	_ =	shalt  }
0x67: {  	_ =	shalt  }
0x68: {  	_ =	shalt  }
0x69: {  	_ =	shalt  }
0x6a: {  	_ =	shalt  }
0x6b: {  	_ =	shalt  }
0x6c: {  	_ =	shalt  }
0x6d: {  	_ =	shalt  }
0x6e: {  	_ =	shalt  }
0x6f: {  	_ =	shalt  }
0x70: {  	_ =	shalt  }
0x71: {  	_ =	shalt  }
0x72: {  	_ =	shalt  }
0x73: {  	_ =	shalt  }
0x74: {  	_ =	shalt  }
0x75: {  	_ =	shalt  }
0x76: {  	_ =	shalt  }
0x77: {  	_ =	shalt  }
0x78: {  	_ =	shalt  }
0x79: {  	_ =	shalt  }
0x7a: {  	_ =	shalt  }
0x7b: {  	_ =	shalt  }
0x7c: {  	_ =	shalt  }
0x7d: {  	_ =	shalt  }
0x7e: {  	_ =	shalt  }
0x7f: {  	_ =	shalt  }
0x80: {  	_ =	shalt  }
0x81: {  	_ =	shalt  }
0x82: {  	_ =	shalt  }
0x83: {  	_ =	shalt  }
0x84: {  	_ =	shalt  }
0x85: {  	_ =	shalt  }
0x86: {  	_ =	shalt  }
0x87: {  	_ =	shalt  }
.Lfunc_end0:
.L_simem_size_0:
called_computation_lowered:
.L_overlay_start_0:
0x88: {  	s2 =	sld [smem:$0x3FD9]  }
0x89: {  	s3 =	sld [smem:$0x3FFE];
	_ =	sdelay $0x1  }
0x8a: {  	s1 =	srdreg.scid  }
0x8b: {  	s0 =	sand.u32 $0x1, s1  }
0x8c: {  	s17 =	sshll.u32 s0, $0xA;
	s2 =	sadd.s32 s3, s2  }
0x8d: {  	s2 =	sadd.s32 s2, s17  }
0x8e: {  	[smem:$0x3FAA] =	sst s2  }
0x8f: {  	_ = 	snop  }
0x90: {  	s2 =	sld [smem:$0x3FD0];
	(tm) =	ssettm $0x1  }
0x91: {  	s18 =	sld [smem:$0x3FFB];
	_ =	sdelay $0x3  }
0x92: {  	_ =	strace s18  }
0x93: {  	s3 =	sld [smem:$0x3FFC];
	_ =	sdelay $0x3  }
0x94: {  	_ =	strace s3  }
0x95: {  	s3 =	sld [smem:$0x3FFD];
	_ =	sdelay $0x3  }
0x96: {  	_ =	strace s3  }
0x97: {  	_ =	strace $0x8FFFFFFF  }
0x98: {  	s19 =	sld [smem:$0x3FDB];
	_ =	sdelay $0x1  }
0x99: {  	s4 =	simm.s32 $_scs_section_size  }
0x9a: {  	s5 =	simm.s32 $_size__tile_overlayer_lowered;
	s6 =	simm.s32 $_tile_overlayer_lowered  }
0x9b: {  	s22 =	simm.s32 $0x1BFF;
	s21 =	sshll.u32 s6, $0x1;
	s3 =	sadd.s32 s4, s19  }
0x9c: {  	s7 =	simm.s32 $0x0;
	s20 =	sshll.u32 s5, $0x1;
	s5 =	sadd.s32 s21, s3  }
0x9d: {  	[timem:s7], [sflag:s22] =	dma.local [hbm:s5], s20  }
0x9e: {  	_ =	swait.ge [sflag:s22], s20  }
0x9f: {  	s4 =	ssub.s32 $0x0, s20;
	[sflag:s22] =	ssyncset.done $0x0  }
0xa0: {  	[sflag:s22] =	ssyncadd.s32 s4;
	_ =	sdelay $0x1  }
0xa1: {  	s23 =	simm.s32 $0x1B8B  }
0xa2: {  	_ =	swait.ge [sflag:s23], $0x1  }
0xa3: {  	[sflag:s23] =	ssyncset.done $0x0  }
0xa4: {  	s25 =	simm.s32 $0x1B8E;
	s24 =	sld [smem:$0x3FFE];
	[sflag:s23] =	ssyncadd.s32 $0xFFFFFFFF  }
0xa5: {  	s26 =	simm.s32 $execute0_lowered;
	[smem:$0x3FD2] =	sst s25  }
0xa6: {  	s5 =	sshll.u32 s26, $0x1;
	_ =	strace $0x80000046;
	[dreg:$0x1] =	wrdreg $0xFFFFFFFF  }
0xa7: {  	s28 =	simm.s32 $_size_execute0_lowered;
	s3 =	sadd.s32 s3, s5;
	[dreg:$0x0] =	wrdreg $0x0  }
0xa8: {  	s5 =	sshll.u32 s28, $0x1;
	[dreg:$0x2] =	wrdreg s3  }
0xa9: {  	[dreg:$0x3] =	wrdreg s5  }
0xaa: {  	[dreg:$0x4] =	wrdreg $0xC0  }
0xab: {  	_ =	task [dreg:s7], $0x5FFFF  }
0xac: {  	[dreg:$0x1] =	wrdreg $0xFFFFFFFF  }
0xad: {  	[dreg:$0x0] =	wrdreg $0x60  }
0xae: {  	[dreg:$0x2] =	wrdreg s2  }
0xaf: {  	[dreg:$0x3] =	wrdreg s24  }
0xb0: {  	[dreg:$0x4] =	wrdreg $0x9  }
0xb1: {  	_ =	task.clear_ibuf [dreg:s7], $0x5FFFF;
	_ =	strace $0x90000046  }
0xb2: {  	s29 =	simm.s32 $0x9;
	_ =	strace $0x80000048  }
0xb3: {  	_ =	swait.ge [sflag:s29], $0x1  }
0xb4: {  	[sflag:s29] =	ssyncadd.s32 $0xFFFFFFFF  }
0xb5: {  	_ =	strace $0x90000048  }
0xb6: {  	_ =	sfence  }
0xb7: {  	s30 =	sld [smem:$0x0];
	_ =	sdelay $0x2  }
0xb8: {  	s31 =	sshll.u32 s1, $0xD;
	s1 =	sshrl.u32 s1, $0x2  }
0xb9: {  	s3 =	sand.u32 $0x4000, s31;
	s1 =	sadd.s32 s1, s30  }
0xba: {  	s0 =	sor.u32 s3, s0;
	s1 =	sshll.u32 s1, $0x11  }
0xbb: {  	s0 =	sor.u32 s1, s0  }
0xbc: {  	s0 =	sadd.s32 $0x8F2B, s0  }
0xbd: {  	[sflag:s0] =	ssyncadd.remote.s32 $0x1  }
0xbe: {  	_ =	sfence.sel $0xFFFF  }
0xbf: {  	[dreg:$0x0] =	wrdreg $0xFFFFFFFF;
	(pc) =	sbr.abs _section_cstart, $3  }
0xc0: {  	[dreg:$0x1] =	wrdreg $0xFFFFFFFF  }
0xc1: {  	_ =	task.clear_ibuf [dreg:s7], $0x2FFFF;
	_ =	strace $0x9FFFFFFF  }
0xc2: {  	(tm) =	ssettm $0x7FFFFFFF  }
0xc3: {  	_ =	shalt  }
tec
execute0_lowered:
.L_overlay_start_1:
0x0: {  	(tag) =	ssettag $0x1  }
0x1: {  	s1 =	rddreg [dreg:$0x0]  }
0x2: {  	s0 =	rddreg [dreg:$0x1]  }
0x3: {  	s3 =	simm.s32 $0x0;
	s4 =	srdreg.scid;
	s2 =	stileid.u32  }
0x4: {  	s11 =	simm.s32 $0x6800;
	s12 =	simm.s32 $0x100;
	s13 =	simm.s32 $0x9000  }
0x5: {  	s14 =	simm.s32 $0x180;
	s15 =	simm.s32 $0xB800;
	s16 =	simm.s32 $0xE  }
0x6: {  	s17 =	simm.s32 $0xF;
	s18 =	simm.s32 $0x10;
	s19 =	simm.s32 $0x9  }
0x7: {  	s20 =	simm.s32 $0xA;
	s21 =	simm.s32 $0xB;
	s22 =	simm.s32 $0xC  }
0x8: {  	s23 =	simm.s32 $0xD;
	s24 =	simm.s32 $0x0;
	[smem:$0x7FF] =	sst s3  }
0x9: {  	s4 =	sand.u32 $0x1, s4;
	s5 =	sshll.u32 s2, $0xC;
	s6 =	smul.u32 $0x4E200, s2  }
0xa: {  	_ =	strace $0x80000047;
	s7 =	sshll.u32 s4, $0xB;
	s8 =	ssub.s32 $0x2, s4  }
0xb: {  	s4 =	smul.u32 $0x27100, s4;
	s5 =	sor.u32 s7, s5;
	s6 =	sadd.s32 s6, s0  }
0xc: {  	s30 =	sshrl.u32 s8, $0x1;
	s7 =	simm.s32 $0x11;
	s0 =	sadd.s32 s5, s0  }
0xd: {  	s31 =	ssub.s32 s8, s30;
	s6 =	sadd.s32 s4, s6;
	s8 =	simm.s32 $0x50  }
0xe: {  	s4 =	sadd.s32 $0x4800, s0;
	s5 =	smax.u32 s31, $0x1;
	s6 =	sadd.s32 $0x62C00, s6  }
.LBB2_1:
0xf: {  	[tilespmem:s3], [sflag:$0x11] =	stream.linear.gather [hbm4b:s4+s3], $0x3E80, $0x38;
	[tilespmem:$0x18000] =	vst v63  }
0x10: {  	_ =	swait.ge [sflag:s7], $0x3E80  }
0x11: {  	s0 =	simm.s32 $0x4000;
	s9 =	simm.s32 $0x80;
	[sflag:s7] =	ssyncset.done $0x0  }
0x12: {  	p0 =	por $0x0, $0x0;
	s25 =	simm.s32 $0x200;
	[sflag:s7] =	ssyncadd.s32 $0xFFFFC180  }
0x13: {  	[tilespmem:s0], [sflag:$0x1] =	stream.indirect.gather [hbm4b:s1+s8], $0x80, s3, s8, $0xb8;
	[tilespmem:$0x18000] =	vst v63  }
0x14: {  	s26 =	simm.s32 $0x1;
	p1 =	por @!p0 $0x1, $0x1;
	s0 =	simm.s32 $0x4  }
0x15: {  	[tilespmem:s11], [sflag:$0x2] =	stream.indirect.gather [hbm4b:s1+s8], $0x80, s9, s8, $0xb8;
	[tilespmem:$0x18000] =	vst v63  }
0x16: {  	s31 =	sand.u32 $0x7, s3;
	p1 =	por p1, p0;
	s0 =	sand.u32 @!p0 $0x7, s0  }
0x17: {  	[tilespmem:s13], [sflag:$0x3] =	stream.indirect.gather [hbm4b:s1+s8], $0x80, s12, s8, $0xb8;
	[tilespmem:$0x18000] =	vst v63  }
0x18: {  	s30 =	sadd.s32 $0x1, s31;
	s28 =	smul.u32 @!p0 $0xA000, s0;
	s29 =	sadd.s32 @!p1 $0x9, s0  }
0x19: {  	[tilespmem:s15], [sflag:$0x4] =	stream.indirect.gather [hbm4b:s1+s8], $0x80, s14, s8, $0xb8;
	[tilespmem:$0x18000] =	vst v63  }
0x1a: {  	s2 =	smul.u32 $0xA000, s31;
	s31 =	sadd.s32 $0x9, s31;
	_ =	swait.ge @!p1 [sflag:s29], $0x2800  }
0x1b: {  	s0 =	sadd.s32 @!p0 $0x1, s0;
	s28 =	sshrl.u32 @!p0 s28, $0x2;
	[sflag:s29] =	ssyncset.done @!p1 $0x0  }
0x1c: {  	s28 =	sadd.s32 @!p0 $0x4000, s28;
	[sflag:s29] =	ssyncadd.s32 @!p1 $0xFFFFD800;
	s29 =	simm.s32 @!p0 $0x50  }
0x1d: {  	[tilespmem:s28], [sflag:s0] =	stream.indirect.gather @!p0 [hbm4b:s1+s29], $0x80, s25, s29, $0xb8;
	[tilespmem:$0x18000] =	vst v63  }
0x1e: {  	s10 =	sshrl.u32 s2, $0x2;
	s28 =	sadd.s32 $0x500, s6;
	_ =	swait.ge [sflag:s30], $0x2800  }
0x1f: {  	s0 =	sadd.s32 $0x4000, s10;
	s29 =	smov.u32 s6;
	[sflag:s30] =	ssyncset.done $0x0  }
.LBB2_2:
0x20: {  	[sflag:s30] =	ssyncadd.s32 $0xFFFFD800  }
0x21: {  	s25 =	sadd.s32 $0x80, s25;
	s2 =	smov.u32 s26;
	s26 =	sadd.s32 $0x1, s26  }
0x22: {  	[hbm4b:s29+s3] =	stream.linear.scatter [tilespmem:s0], [sflag:s31], $0x2800, $0x38;
	[tilespmem:$0x18000] =	vst v63  }
0x23: {  	s0 =	sadd.s32 $0x4, s2;
	p1 =	sgt.u32 s2, $0x78;
	p0 =	sne.s32 s26, $0x7D  }
0x24: {  	s29 =	smov.u32 s28;
	s0 =	sand.u32 @!p1 $0x7, s0;
	p2 =	slt.u32 @!p1 s2, $0x4  }
0x25: {  	p2 =	por p2, p1;
	s30 =	smul.u32 @!p1 $0xA000, s0;
	s31 =	sadd.s32 @!p1 $0x1, s0  }
0x26: {  	s0 =	sadd.s32 @!p2 $0x9, s0  }
0x27: {  	s30 =	sshrl.u32 @!p1 s30, $0x2;
	_ =	swait.ge @!p2 [sflag:s0], $0x2800  }
0x28: {  	s2 =	sand.u32 $0x7, s2;
	s9 =	sadd.s32 @!p1 $0x4000, s30;
	[sflag:s0] =	ssyncset.done @!p2 $0x0  }
.Ltmp0:
0x29: {  	[sflag:s0] =	ssyncadd.s32 @!p2 $0xFFFFD800;
	s0 =	simm.s32 @!p1 $0x50;
	(pc) =	sbr.rel @p0 .LBB2_2-.Ltmp0, $4  }
0x2a: {  	s10 =	smul.u32 $0xA000, s2;
	s30 =	sadd.s32 $0x1, s2  }
0x2b: {  	[tilespmem:s9], [sflag:s31] =	stream.indirect.gather @!p1 [hbm4b:s1+s0], $0x80, s25, s0, $0xb8;
	[tilespmem:$0x18000] =	vst v63  }
0x2c: {  	s28 =	sadd.s32 $0x500, s28;
	s0 =	sshrl.u32 s10, $0x2;
	_ =	swait.ge [sflag:s30], $0x2800  }
0x2d: {  	s31 =	sadd.s32 $0x9, s2;
	s0 =	sadd.s32 $0x4000, s0;
	[sflag:s30] =	ssyncset.done $0x0  }
0x2e: {  	[sflag:s30] =	ssyncadd.s32 $0xFFFFD800  }
0x2f: {  	[hbm4b:s29+s3] =	stream.linear.scatter [tilespmem:s0], [sflag:s31], $0x2800, $0x38;
	[tilespmem:$0x18000] =	vst v63  }
0x30: {  	_ =	swait.ge [sflag:s16], $0x2800  }
0x31: {  	[sflag:s16] =	ssyncset.done $0x0  }
0x32: {  	[sflag:s16] =	ssyncadd.s32 $0xFFFFD800  }
0x33: {  	_ =	swait.ge [sflag:s17], $0x2800  }
0x34: {  	[sflag:s17] =	ssyncset.done $0x0  }
0x35: {  	[sflag:s17] =	ssyncadd.s32 $0xFFFFD800  }
0x36: {  	_ =	swait.ge [sflag:s18], $0x2800  }
0x37: {  	[sflag:s18] =	ssyncset.done $0x0  }
0x38: {  	[sflag:s18] =	ssyncadd.s32 $0xFFFFD800  }
0x39: {  	_ =	swait.ge [sflag:s19], $0x2800  }
0x3a: {  	[sflag:s19] =	ssyncset.done $0x0  }
0x3b: {  	[sflag:s19] =	ssyncadd.s32 $0xFFFFD800  }
0x3c: {  	_ =	swait.ge [sflag:s20], $0x2800  }
0x3d: {  	[sflag:s20] =	ssyncset.done $0x0  }
0x3e: {  	[sflag:s20] =	ssyncadd.s32 $0xFFFFD800  }
0x3f: {  	_ =	swait.ge [sflag:s21], $0x2800  }
0x40: {  	[sflag:s21] =	ssyncset.done $0x0  }
0x41: {  	s24 =	sadd.s32 $0x1, s24;
	[sflag:s21] =	ssyncadd.s32 $0xFFFFD800  }
0x42: {  	p0 =	sne.s32 s24, s5;
	_ =	swait.ge [sflag:s22], $0x2800  }
.Ltmp1:
0x43: {  	[sflag:s22] =	ssyncset.done $0x0;
	(pc) =	sbr.rel @p0 .LBB2_1-.Ltmp1, $4  }
0x44: {  	[sflag:s22] =	ssyncadd.s32 $0xFFFFD800  }
0x45: {  	_ =	swait.ge [sflag:s23], $0x2800  }
0x46: {  	[sflag:s23] =	ssyncset.done $0x0  }
0x47: {  	[sflag:s23] =	ssyncadd.s32 $0xFFFFD800  }
0x48: {  	_ =	sfence.sel $0x180000  }
0x49: {  	[bflag:$0x0] =	sbarrier.arrive $0xFFFF  }
0x4a: {  	_ =	strace $0x90000047  }
0x4b: {  	s0 =	stileid.u32;
	[bflag:$0x2] =	sbarrier.arrive $0xFFFF  }
0x4c: {  	p0 =	sne.s32 s0, $0x0;
	s0 =	rddreg [dreg:$0x2]  }
0x4d: {  	s0 =	sadd.s32 @!p0 $0x100000, s0  }
0x4e: {  	[sflag:s0] =	ssyncadd.tile.s32 @!p0 $0x1;
	_ =	shalt  }
.Lfunc_end2:
_tile_overlayer_lowered:
.L_overlay_start_2:
0x4f: {  	(tag) =	ssettag $0x2  }
0x50: {  	s0 =	rddreg [dreg:$0x0];
	s2 =	stileid.u32  }
0x51: {  	s1 =	rddreg [dreg:$0x1];
	p0 =	sne.s32 s2, $0x0  }
0x52: {  	s3 =	rddreg [dreg:$0x2];
	[bflag:$0x3] =	sbarrier.arrive $0xFFFF;
	s2 =	simm.s32 @!p0 $0x1C11  }
0x53: {  	[timem:s3], [sflag:s2] =	dma.local @!p0 [hbm:s0], s1  }
0x54: {  	s0 =	simm.s32 @!p0 $0x11  }
0x55: {  	_ =	swait.ge @!p0 [sflag:s0], s1  }
0x56: {  	s1 =	ssub.s32 @!p0 $0x0, s1;
	[sflag:s0] =	ssyncset.done @!p0 $0x0  }
0x57: {  	[sflag:s0] =	ssyncadd.s32 @!p0 s1  }
0x58: {  	[bflag:$0x3] =	sbarrier.arrive $0xFFFF  }
0x59: {  	_ =	shalt  }

</sc_bundles>
